<compile_context>
chip_gen: v7x
topology: tpu7x:2x2x1
jax: 0.10.2.dev20260603
libtpu: 0.0.44.dev20260713+nightly
codegen_flags: <defaults>
</compile_context>

<pallas_src>
import jax
import jax.numpy as jnp
from jax import lax
from jax.experimental import pallas as pl
from jax.experimental.pallas import tpu as pltpu
from jax.experimental.pallas import tpu_sc as plsc

N_NODES = 10000
N_EDGES = 320000
D_FEAT = 128
HIDDEN = 128

NC = 2
NS = 16
NW = NC * NS
E_PER_TILE = N_EDGES // NW
CHUNK = 80
NCHUNK = E_PER_TILE // CHUNK
NP = 10240
ROWS_PER_TILE = NP // NS
DEG_W = 16

_mesh = lambda: plsc.VectorSubcoreMesh(core_axis_name="c", subcore_axis_name="s")
_sc_params = lambda: pltpu.CompilerParams(use_tc_tiling_on_sc=False)


def _deg_body(dst_hbm, zeros_hbm, ones_hbm, out_hbm, didx, ones_v, accum):
    c = lax.axis_index("c")
    s = lax.axis_index("s")
    wid = s * NC + c
    pltpu.sync_copy(dst_hbm.at[wid], didx)
    pltpu.sync_copy(ones_hbm, ones_v)
    r0 = s * ROWS_PER_TILE
    pltpu.sync_copy(zeros_hbm.at[pl.ds(r0, ROWS_PER_TILE)],
                    accum.at[pl.ds(r0, ROWS_PER_TILE)])
    plsc.subcore_barrier()

    @pl.loop(0, NCHUNK)
    def _(j):
        pltpu.sync_copy(ones_v, accum.at[didx.at[j]], add=True)

    plsc.subcore_barrier()
    pltpu.sync_copy(accum.at[pl.ds(r0, ROWS_PER_TILE)],
                    out_hbm.at[c, pl.ds(r0, ROWS_PER_TILE)])


def _deg_call(dst_r, zeros16, ones16):
    f = pl.kernel(
        _deg_body,
        out_type=jax.ShapeDtypeStruct((NC, NP, DEG_W), jnp.float32),
        mesh=_mesh(),
        compiler_params=_sc_params(),
        scratch_types=[
            pltpu.VMEM((NCHUNK, CHUNK), jnp.int32),
            pltpu.VMEM((CHUNK, DEG_W), jnp.float32),
            pltpu.VMEM_SHARED((NP, DEG_W), jnp.float32),
        ],
    )
    return f(dst_r, zeros16, ones16)


def _spmm_body(g_hbm, src_hbm, dst_hbm, out_hbm,
               sidx, didx, buf0, buf1, accum, sem0, sem1):
    c = lax.axis_index("c")
    s = lax.axis_index("s")
    wid = s * NC + c
    pltpu.sync_copy(src_hbm.at[wid], sidx)
    pltpu.sync_copy(dst_hbm.at[wid], didx)
    r0 = s * ROWS_PER_TILE
    pltpu.sync_copy(g_hbm.at[pl.ds(r0, ROWS_PER_TILE)],
                    accum.at[pl.ds(r0, ROWS_PER_TILE)])
    plsc.subcore_barrier()

    pltpu.async_copy(g_hbm.at[sidx.at[0]], buf0, sem0)

    @pl.loop(0, NCHUNK - 1, step=2)
    def _(j):
        pltpu.async_copy(g_hbm.at[sidx.at[j + 1]], buf1, sem1)
        pltpu.make_async_copy(g_hbm.at[sidx.at[j]], buf0, sem0).wait()
        pltpu.sync_copy(buf0, accum.at[didx.at[j]], add=True)
        pltpu.async_copy(g_hbm.at[sidx.at[j + 2]], buf0, sem0)
        pltpu.make_async_copy(g_hbm.at[sidx.at[j + 1]], buf1, sem1).wait()
        pltpu.sync_copy(buf1, accum.at[didx.at[j + 1]], add=True)

    pltpu.make_async_copy(g_hbm.at[sidx.at[NCHUNK - 1]], buf0, sem0).wait()
    pltpu.sync_copy(buf0, accum.at[didx.at[NCHUNK - 1]], add=True)

    plsc.subcore_barrier()
    pltpu.sync_copy(accum.at[pl.ds(r0, ROWS_PER_TILE)],
                    out_hbm.at[c, pl.ds(r0, ROWS_PER_TILE)])


def _spmm_call(g, src_r, dst_r):
    f = pl.kernel(
        _spmm_body,
        out_type=jax.ShapeDtypeStruct((NC, NP, HIDDEN), jnp.float32),
        mesh=_mesh(),
        compiler_params=_sc_params(),
        scratch_types=[
            pltpu.VMEM((NCHUNK, CHUNK), jnp.int32),
            pltpu.VMEM((NCHUNK, CHUNK), jnp.int32),
            pltpu.VMEM((CHUNK, HIDDEN), jnp.float32),
            pltpu.VMEM((CHUNK, HIDDEN), jnp.float32),
            pltpu.VMEM_SHARED((NP, HIDDEN), jnp.float32),
            pltpu.SemaphoreType.DMA,
            pltpu.SemaphoreType.DMA,
        ],
    )
    return f(g, src_r, dst_r)


def _prologue_body(x_ref, pos_ref, lap_ref, wpa_ref, wpb_ref, bp_ref,
                   wxt_ref, wxb_ref, bx_ref, degp_ref,
                   g0_ref, norm_ref, norm2_ref):
    pe = (jnp.dot(pos_ref[...], wpa_ref[...], preferred_element_type=jnp.float32)
          + jnp.dot(lap_ref[...], wpb_ref[...], preferred_element_type=jnp.float32)
          + bp_ref[...])
    h = (jnp.dot(x_ref[...], wxt_ref[...], preferred_element_type=jnp.float32)
         + jnp.dot(pe, wxb_ref[...], preferred_element_type=jnp.float32)
         + bx_ref[...])
    deg = (degp_ref[0] + degp_ref[1])[:N_NODES, 0:1]
    norm = lax.rsqrt(1.0 + deg)
    norm_ref[:N_NODES] = norm
    norm_ref[N_NODES:] = jnp.zeros((NP - N_NODES, 1), jnp.float32)
    norm2_ref[:N_NODES] = norm * norm
    norm2_ref[N_NODES:] = jnp.zeros((NP - N_NODES, 1), jnp.float32)
    g0_ref[:N_NODES] = h * norm
    g0_ref[N_NODES:] = jnp.zeros((NP - N_NODES, HIDDEN), jnp.float32)


def _prologue_call(x, pos, lap, wpa, wpb, bp, wxt, wxb, bx, degp):
    return pl.pallas_call(
        _prologue_body,
        out_shape=[
            jax.ShapeDtypeStruct((NP, HIDDEN), jnp.float32),
            jax.ShapeDtypeStruct((NP, 1), jnp.float32),
            jax.ShapeDtypeStruct((NP, 1), jnp.float32),
        ],
    )(x, pos, lap, wpa, wpb, bp, wxt, wxb, bx, degp)


def _combine_body(p_ref, g_ref, s_ref, out_ref):
    out_ref[...] = s_ref[...] * (p_ref[0] + p_ref[1] - g_ref[...])


def _combine_call(p, g, scale):
    return pl.pallas_call(
        _combine_body,
        out_shape=jax.ShapeDtypeStruct((NP, HIDDEN), jnp.float32),
    )(p, g, scale)


def kernel(x, edge_index, pos_emb, lap_pe, W_pos, b_pos, W_xemb, b_xemb):
    dst = edge_index[0].astype(jnp.int32).reshape(NW, NCHUNK, CHUNK)
    src = edge_index[1].astype(jnp.int32).reshape(NW, NCHUNK, CHUNK)

    wpa = W_pos[:pos_emb.shape[1]]
    wpb = W_pos[pos_emb.shape[1]:]
    wxt = W_xemb[:D_FEAT]
    wxb = W_xemb[D_FEAT:]

    zeros16 = jnp.zeros((NP, DEG_W), jnp.float32)
    ones16 = jnp.ones((CHUNK, DEG_W), jnp.float32)

    degp = _deg_call(dst, zeros16, ones16)
    g, norm, norm2 = _prologue_call(x, pos_emb, lap_pe, wpa, wpb, b_pos,
                                    wxt, wxb, b_xemb, degp)
    for layer in range(3):
        p = _spmm_call(g, src, dst)
        g = _combine_call(p, g, norm if layer == 2 else norm2)
    return g[:N_NODES]

# --- scband reference (transcript-rebuilt; emitter-appended) ---
"""Pipeline reference for scband-gcn-67834713473299 (READ-ONLY COPY).

The authoritative reference and input builder live on the scoring server;
editing this copy changes nothing except your own understanding.
"""

import jax, jax.numpy as jnp
import numpy as np

N_NODES = 10000
N_EDGES = 320000
D_FEAT = 128
HIDDEN = 128
NUM_LOCAL = 8
STR_INPUT = 60
NUM_LAYERS = 3


def setup_inputs(seed: int = 0) -> dict:
    key = jax.random.key(seed)
    ks = jax.random.split(key, 8)
    x = jax.random.normal(ks[0], (N_NODES, D_FEAT), dtype=jnp.float32)
    edge_index = jax.random.randint(ks[1], (2, N_EDGES), 0, N_NODES, dtype=jnp.int64)
    pos_emb = jax.random.normal(ks[2], (N_NODES, STR_INPUT), dtype=jnp.float32)
    lap_pe = jax.random.normal(ks[3], (N_NODES, STR_INPUT - 1), dtype=jnp.float32)
    # learned params
    in_pos = 2 * STR_INPUT - 1  # 119
    W_pos = jax.random.normal(ks[4], (in_pos, NUM_LOCAL), dtype=jnp.float32) * (1.0 / np.sqrt(in_pos))
    b_pos = jnp.zeros((NUM_LOCAL,), dtype=jnp.float32)
    in_xemb = D_FEAT + NUM_LOCAL  # 136
    W_xemb = jax.random.normal(ks[5], (in_xemb, HIDDEN), dtype=jnp.float32) * (1.0 / np.sqrt(in_xemb))
    b_xemb = jnp.zeros((HIDDEN,), dtype=jnp.float32)
    return {
        'x': x, 'edge_index': edge_index, 'pos_emb': pos_emb, 'lap_pe': lap_pe,
        'W_pos': W_pos, 'b_pos': b_pos, 'W_xemb': W_xemb, 'b_xemb': b_xemb,
    }


def reference(x, edge_index, pos_emb, lap_pe, W_pos, b_pos, W_xemb, b_xemb):
    N = x.shape[0]
    dst = edge_index[0]
    src = edge_index[1]
    # mode == 'tea': pos embedding projection then concat
    pe = jnp.concatenate([pos_emb, lap_pe], axis=-1) @ W_pos + b_pos
    h = jnp.concatenate([x, pe], axis=-1)
    # xemb: dropout(p=0) -> Linear -> Identity (dropout=0)
    h = h @ W_xemb + b_xemb
    # degree per node (row-sum of adj_t)
    deg = jax.ops.segment_sum(jnp.ones((dst.shape[0],), dtype=jnp.float32), dst, num_segments=N)
    norm = jax.lax.rsqrt(1.0 + deg).reshape(-1, 1)
    # PureConv 'gcn' aggregation, applied NUM_LAYERS times (all dims equal -> lin is Identity)
    for _ in range(NUM_LAYERS):
        h = norm * h
        agg = jax.ops.segment_sum(h[src], dst, num_segments=N)
        h = agg + h
        h = norm * h
    return h

if __name__ == "__main__":
    import jax
    _d = setup_inputs()
    print(jax.jit(kernel)(*tuple(_d.values())))

</pallas_src>

<mosaic_0001>
#map = affine_map<(d0, d1) -> (0, 0)>
#map1 = affine_map<(d0, d1) -> (0, 0, 0)>
module attributes {stable_mosaic.version = 14 : i64} {
  func.func @_spmm_body(%arg0: i32, %arg1: i32, %arg2: memref<10240x128xf32, #tpu.memory_space<hbm>>, %arg3: memref<32x125x80xi32, #tpu.memory_space<hbm>>, %arg4: memref<32x125x80xi32, #tpu.memory_space<hbm>>, %arg5: memref<2x10240x128xf32, #tpu.memory_space<hbm>>, %arg6: memref<125x80xi32, #tpu.memory_space<vmem>>, %arg7: memref<125x80xi32, #tpu.memory_space<vmem>>, %arg8: memref<80x128xf32, #tpu.memory_space<vmem>>, %arg9: memref<80x128xf32, #tpu.memory_space<vmem>>, %arg10: memref<10240x128xf32, #tpu.memory_space<vmem_shared>>, %arg11: memref<!tpu.dma_semaphore, #tpu.memory_space<semaphore_mem>>, %arg12: memref<!tpu.dma_semaphore, #tpu.memory_space<semaphore_mem>>) attributes {dimension_semantics = [#tpu.dimension_semantics<core_parallel>, #tpu.dimension_semantics<subcore_parallel>], iteration_bounds = array<i64: 2, 16>, scalar_prefetch = 0 : i64, scratch_operands = 7 : i64, tpu.core_type = #tpu.core_type<sc_vector_subcore>, window_params = [{transform_indices = #map}, {transform_indices = #map1}, {transform_indices = #map1}, {transform_indices = #map1}]} {
    %mul3A = arith.constant 2 : i32
    %mul3A_0 = arith.muli %arg1, %mul3A : i32
    %add3A = arith.addi %mul3A_0, %arg0 : i32
    "tpu.region"() ({
      %run_scoped3A_20 = tpu.sem_alloc : memref<!tpu.dma_semaphore, #tpu.memory_space<semaphore_mem>>
      %dma_start3A_21 = arith.constant 0 : i32
      %dma_start3A_22 = arith.constant 0 : i32
      %dma_start3A_23 = tpu.memref_slice %arg3[%add3A, %dma_start3A_21, %dma_start3A_22] : memref<32x125x80xi32, #tpu.memory_space<hbm>> -> memref<1x125x80xi32, #tpu.memory_space<hbm>>
      %dma_start3A_24 = tpu.memref_squeeze %dma_start3A_23 : memref<1x125x80xi32, #tpu.memory_space<hbm>> -> memref<125x80xi32, #tpu.memory_space<hbm>>
      %dma_start3A_25 = arith.constant 0 : i32
      %dma_start3A_26 = arith.constant 0 : i32
      %dma_start3A_27 = tpu.memref_slice %arg3[%add3A, %dma_start3A_25, %dma_start3A_26] : memref<32x125x80xi32, #tpu.memory_space<hbm>> -> memref<1x125x80xi32, #tpu.memory_space<hbm>>
      %dma_start3A_28 = tpu.memref_squeeze %dma_start3A_27 : memref<1x125x80xi32, #tpu.memory_space<hbm>> -> memref<125x80xi32, #tpu.memory_space<hbm>>
      tpu.enqueue_dma source(%dma_start3A_28 : memref<125x80xi32, #tpu.memory_space<hbm>>) target(%arg6 : memref<125x80xi32, #tpu.memory_space<vmem>>) target_semaphore(%run_scoped3A_20 : memref<!tpu.dma_semaphore, #tpu.memory_space<semaphore_mem>>)
      %dma_wait3A_29 = arith.constant 0 : i32
      %dma_wait3A_30 = arith.constant 0 : i32
      %dma_wait3A_31 = tpu.memref_slice %arg3[%add3A, %dma_wait3A_29, %dma_wait3A_30] : memref<32x125x80xi32, #tpu.memory_space<hbm>> -> memref<1x125x80xi32, #tpu.memory_space<hbm>>
      %dma_wait3A_32 = tpu.memref_squeeze %dma_wait3A_31 : memref<1x125x80xi32, #tpu.memory_space<hbm>> -> memref<125x80xi32, #tpu.memory_space<hbm>>
      %dma_wait3A_33 = arith.constant 0 : i32
      %dma_wait3A_34 = arith.constant 0 : i32
      %dma_wait3A_35 = tpu.memref_slice %arg3[%add3A, %dma_wait3A_33, %dma_wait3A_34] : memref<32x125x80xi32, #tpu.memory_space<hbm>> -> memref<1x125x80xi32, #tpu.memory_space<hbm>>
      %dma_wait3A_36 = tpu.memref_squeeze %dma_wait3A_35 : memref<1x125x80xi32, #tpu.memory_space<hbm>> -> memref<125x80xi32, #tpu.memory_space<hbm>>
      tpu.wait_dma2 semaphore(%run_scoped3A_20 : memref<!tpu.dma_semaphore, #tpu.memory_space<semaphore_mem>>) src(%dma_wait3A_36 : memref<125x80xi32, #tpu.memory_space<hbm>>) dst(%arg6 : memref<125x80xi32, #tpu.memory_space<vmem>>)
      tpu.yield
    }) : () -> ()
    "tpu.region"() ({
      %run_scoped3A_20 = tpu.sem_alloc : memref<!tpu.dma_semaphore, #tpu.memory_space<semaphore_mem>>
      %dma_start3A_21 = arith.constant 0 : i32
      %dma_start3A_22 = arith.constant 0 : i32
      %dma_start3A_23 = tpu.memref_slice %arg4[%add3A, %dma_start3A_21, %dma_start3A_22] : memref<32x125x80xi32, #tpu.memory_space<hbm>> -> memref<1x125x80xi32, #tpu.memory_space<hbm>>
      %dma_start3A_24 = tpu.memref_squeeze %dma_start3A_23 : memref<1x125x80xi32, #tpu.memory_space<hbm>> -> memref<125x80xi32, #tpu.memory_space<hbm>>
      %dma_start3A_25 = arith.constant 0 : i32
      %dma_start3A_26 = arith.constant 0 : i32
      %dma_start3A_27 = tpu.memref_slice %arg4[%add3A, %dma_start3A_25, %dma_start3A_26] : memref<32x125x80xi32, #tpu.memory_space<hbm>> -> memref<1x125x80xi32, #tpu.memory_space<hbm>>
      %dma_start3A_28 = tpu.memref_squeeze %dma_start3A_27 : memref<1x125x80xi32, #tpu.memory_space<hbm>> -> memref<125x80xi32, #tpu.memory_space<hbm>>
      tpu.enqueue_dma source(%dma_start3A_28 : memref<125x80xi32, #tpu.memory_space<hbm>>) target(%arg7 : memref<125x80xi32, #tpu.memory_space<vmem>>) target_semaphore(%run_scoped3A_20 : memref<!tpu.dma_semaphore, #tpu.memory_space<semaphore_mem>>)
      %dma_wait3A_29 = arith.constant 0 : i32
      %dma_wait3A_30 = arith.constant 0 : i32
      %dma_wait3A_31 = tpu.memref_slice %arg4[%add3A, %dma_wait3A_29, %dma_wait3A_30] : memref<32x125x80xi32, #tpu.memory_space<hbm>> -> memref<1x125x80xi32, #tpu.memory_space<hbm>>
      %dma_wait3A_32 = tpu.memref_squeeze %dma_wait3A_31 : memref<1x125x80xi32, #tpu.memory_space<hbm>> -> memref<125x80xi32, #tpu.memory_space<hbm>>
      %dma_wait3A_33 = arith.constant 0 : i32
      %dma_wait3A_34 = arith.constant 0 : i32
      %dma_wait3A_35 = tpu.memref_slice %arg4[%add3A, %dma_wait3A_33, %dma_wait3A_34] : memref<32x125x80xi32, #tpu.memory_space<hbm>> -> memref<1x125x80xi32, #tpu.memory_space<hbm>>
      %dma_wait3A_36 = tpu.memref_squeeze %dma_wait3A_35 : memref<1x125x80xi32, #tpu.memory_space<hbm>> -> memref<125x80xi32, #tpu.memory_space<hbm>>
      tpu.wait_dma2 semaphore(%run_scoped3A_20 : memref<!tpu.dma_semaphore, #tpu.memory_space<semaphore_mem>>) src(%dma_wait3A_36 : memref<125x80xi32, #tpu.memory_space<hbm>>) dst(%arg7 : memref<125x80xi32, #tpu.memory_space<vmem>>)
      tpu.yield
    }) : () -> ()
    %mul3A_1 = arith.constant 640 : i32
    %mul3A_2 = arith.muli %arg1, %mul3A_1 : i32
    "tpu.region"() ({
      %run_scoped3A_20 = tpu.sem_alloc : memref<!tpu.dma_semaphore, #tpu.memory_space<semaphore_mem>>
      %dma_start3A_21 = arith.constant 0 : i32
      %dma_start3A_22 = tpu.memref_slice %arg10[%mul3A_2, %dma_start3A_21] : memref<10240x128xf32, #tpu.memory_space<vmem_shared>> -> memref<640x128xf32, #tpu.memory_space<vmem_shared>>
      %dma_start3A_23 = arith.constant 0 : i32
      %dma_start3A_24 = tpu.memref_slice %arg2[%mul3A_2, %dma_start3A_23] : memref<10240x128xf32, #tpu.memory_space<hbm>> -> memref<640x128xf32, #tpu.memory_space<hbm>>
      tpu.enqueue_dma source(%dma_start3A_24 : memref<640x128xf32, #tpu.memory_space<hbm>>) target(%dma_start3A_22 : memref<640x128xf32, #tpu.memory_space<vmem_shared>>) target_semaphore(%run_scoped3A_20 : memref<!tpu.dma_semaphore, #tpu.memory_space<semaphore_mem>>)
      %dma_wait3A_25 = arith.constant 0 : i32
      %dma_wait3A_26 = tpu.memref_slice %arg10[%mul3A_2, %dma_wait3A_25] : memref<10240x128xf32, #tpu.memory_space<vmem_shared>> -> memref<640x128xf32, #tpu.memory_space<vmem_shared>>
      %dma_wait3A_27 = arith.constant 0 : i32
      %dma_wait3A_28 = tpu.memref_slice %arg2[%mul3A_2, %dma_wait3A_27] : memref<10240x128xf32, #tpu.memory_space<hbm>> -> memref<640x128xf32, #tpu.memory_space<hbm>>
      tpu.wait_dma2 semaphore(%run_scoped3A_20 : memref<!tpu.dma_semaphore, #tpu.memory_space<semaphore_mem>>) src(%dma_wait3A_28 : memref<640x128xf32, #tpu.memory_space<hbm>>) dst(%dma_wait3A_26 : memref<640x128xf32, #tpu.memory_space<vmem_shared>>)
      tpu.yield
    }) : () -> ()
    %barrier3A = arith.constant 0 : index
    tpu.barrier barrier_id(%barrier3A)
    %dma_start3A = arith.constant 0 : i32
    %dma_start3A_3 = arith.constant 0 : i32
    %dma_start3A_4 = tpu.memref_slice %arg6[%dma_start3A, %dma_start3A_3] : memref<125x80xi32, #tpu.memory_space<vmem>> -> memref<1x80xi32, #tpu.memory_space<vmem>>
    %dma_start3A_5 = tpu.memref_squeeze %dma_start3A_4 : memref<1x80xi32, #tpu.memory_space<vmem>> -> memref<80xi32, #tpu.memory_space<vmem>>
    %dma_start3A_6 = arith.constant 0 : i32
    %dma_start3A_7 = arith.constant 0 : i32
    %dma_start3A_8 = tpu.memref_slice %arg2[%dma_start3A_6, %dma_start3A_7] : memref<10240x128xf32, #tpu.memory_space<hbm>> -> memref<10240x128xf32, #tpu.memory_space<hbm>>
    tpu.enqueue_indirect_dma source(%dma_start3A_8 : memref<10240x128xf32, #tpu.memory_space<hbm>>) target(%arg8 : memref<80x128xf32, #tpu.memory_space<vmem>>) offsets(%dma_start3A_5 : memref<80xi32, #tpu.memory_space<vmem>>) semaphore(%arg11 : memref<!tpu.dma_semaphore, #tpu.memory_space<semaphore_mem>>)
    %scan3A = arith.constant 0 : i32
    %scan3A_9 = arith.constant 62 : i32
    %scan3A_10 = arith.addi %scan3A, %scan3A_9 : i32
    %scan3A_11 = arith.constant 1 : i32
    scf.for %scan3A_20 = %scan3A to %scan3A_10 step %scan3A_11  : i32 {
      %mul3A_21 = arith.constant 2 : i32
      %mul3A_22 = arith.muli %scan3A_20, %mul3A_21 : i32
      %add3A_23 = arith.constant 0 : i32
      %add3A_24 = arith.addi %add3A_23, %mul3A_22 : i32
      %add3A_25 = arith.constant 1 : i32
      %add3A_26 = arith.addi %add3A_24, %add3A_25 : i32
      %dma_start3A_27 = arith.constant 0 : i32
      %dma_start3A_28 = tpu.memref_slice %arg6[%add3A_26, %dma_start3A_27] : memref<125x80xi32, #tpu.memory_space<vmem>> -> memref<1x80xi32, #tpu.memory_space<vmem>>
      %dma_start3A_29 = tpu.memref_squeeze %dma_start3A_28 : memref<1x80xi32, #tpu.memory_space<vmem>> -> memref<80xi32, #tpu.memory_space<vmem>>
      %dma_start3A_30 = arith.constant 0 : i32
      %dma_start3A_31 = arith.constant 0 : i32
      %dma_start3A_32 = tpu.memref_slice %arg2[%dma_start3A_30, %dma_start3A_31] : memref<10240x128xf32, #tpu.memory_space<hbm>> -> memref<10240x128xf32, #tpu.memory_space<hbm>>
      tpu.enqueue_indirect_dma source(%dma_start3A_32 : memref<10240x128xf32, #tpu.memory_space<hbm>>) target(%arg9 : memref<80x128xf32, #tpu.memory_space<vmem>>) offsets(%dma_start3A_29 : memref<80xi32, #tpu.memory_space<vmem>>) semaphore(%arg12 : memref<!tpu.dma_semaphore, #tpu.memory_space<semaphore_mem>>)
      %dma_wait3A_33 = arith.constant 0 : i32
      %dma_wait3A_34 = tpu.memref_slice %arg6[%add3A_24, %dma_wait3A_33] : memref<125x80xi32, #tpu.memory_space<vmem>> -> memref<1x80xi32, #tpu.memory_space<vmem>>
      %dma_wait3A_35 = tpu.memref_squeeze %dma_wait3A_34 : memref<1x80xi32, #tpu.memory_space<vmem>> -> memref<80xi32, #tpu.memory_space<vmem>>
      %dma_wait3A_36 = arith.constant 0 : i32
      %dma_wait3A_37 = arith.constant 0 : i32
      %dma_wait3A_38 = tpu.memref_slice %arg2[%dma_wait3A_36, %dma_wait3A_37] : memref<10240x128xf32, #tpu.memory_space<hbm>> -> memref<10240x128xf32, #tpu.memory_space<hbm>>
      tpu.wait_indirect_dma semaphore(%arg11 : memref<!tpu.dma_semaphore, #tpu.memory_space<semaphore_mem>>) src(%dma_wait3A_38 : memref<10240x128xf32, #tpu.memory_space<hbm>>) dst(%arg8 : memref<80x128xf32, #tpu.memory_space<vmem>>)
      "tpu.region"() ({
        %run_scoped3A_57 = tpu.sem_alloc : memref<!tpu.dma_semaphore, #tpu.memory_space<semaphore_mem>>
        %dma_start3A_58 = arith.constant 0 : i32
        %dma_start3A_59 = tpu.memref_slice %arg7[%add3A_24, %dma_start3A_58] : memref<125x80xi32, #tpu.memory_space<vmem>> -> memref<1x80xi32, #tpu.memory_space<vmem>>
        %dma_start3A_60 = tpu.memref_squeeze %dma_start3A_59 : memref<1x80xi32, #tpu.memory_space<vmem>> -> memref<80xi32, #tpu.memory_space<vmem>>
        %dma_start3A_61 = arith.constant 0 : i32
        %dma_start3A_62 = arith.constant 0 : i32
        %dma_start3A_63 = tpu.memref_slice %arg10[%dma_start3A_61, %dma_start3A_62] : memref<10240x128xf32, #tpu.memory_space<vmem_shared>> -> memref<10240x128xf32, #tpu.memory_space<vmem_shared>>
        tpu.enqueue_indirect_dma source(%arg8 : memref<80x128xf32, #tpu.memory_space<vmem>>) target(%dma_start3A_63 : memref<10240x128xf32, #tpu.memory_space<vmem_shared>>) offsets(%dma_start3A_60 : memref<80xi32, #tpu.memory_space<vmem>>) semaphore(%run_scoped3A_57 : memref<!tpu.dma_semaphore, #tpu.memory_space<semaphore_mem>>) {add = true}
        %dma_wait3A_64 = arith.constant 0 : i32
        %dma_wait3A_65 = tpu.memref_slice %arg7[%add3A_24, %dma_wait3A_64] : memref<125x80xi32, #tpu.memory_space<vmem>> -> memref<1x80xi32, #tpu.memory_space<vmem>>
        %dma_wait3A_66 = tpu.memref_squeeze %dma_wait3A_65 : memref<1x80xi32, #tpu.memory_space<vmem>> -> memref<80xi32, #tpu.memory_space<vmem>>
        %dma_wait3A_67 = arith.constant 0 : i32
        %dma_wait3A_68 = arith.constant 0 : i32
        %dma_wait3A_69 = tpu.memref_slice %arg10[%dma_wait3A_67, %dma_wait3A_68] : memref<10240x128xf32, #tpu.memory_space<vmem_shared>> -> memref<10240x128xf32, #tpu.memory_space<vmem_shared>>
        tpu.wait_indirect_dma semaphore(%run_scoped3A_57 : memref<!tpu.dma_semaphore, #tpu.memory_space<semaphore_mem>>) src(%arg8 : memref<80x128xf32, #tpu.memory_space<vmem>>) dst(%dma_wait3A_69 : memref<10240x128xf32, #tpu.memory_space<vmem_shared>>)
        tpu.yield
      }) : () -> ()
      %add3A_39 = arith.constant 2 : i32
      %add3A_40 = arith.addi %add3A_24, %add3A_39 : i32
      %dma_start3A_41 = arith.constant 0 : i32
      %dma_start3A_42 = tpu.memref_slice %arg6[%add3A_40, %dma_start3A_41] : memref<125x80xi32, #tpu.memory_space<vmem>> -> memref<1x80xi32, #tpu.memory_space<vmem>>
      %dma_start3A_43 = tpu.memref_squeeze %dma_start3A_42 : memref<1x80xi32, #tpu.memory_space<vmem>> -> memref<80xi32, #tpu.memory_space<vmem>>
      %dma_start3A_44 = arith.constant 0 : i32
      %dma_start3A_45 = arith.constant 0 : i32
      %dma_start3A_46 = tpu.memref_slice %arg2[%dma_start3A_44, %dma_start3A_45] : memref<10240x128xf32, #tpu.memory_space<hbm>> -> memref<10240x128xf32, #tpu.memory_space<hbm>>
      tpu.enqueue_indirect_dma source(%dma_start3A_46 : memref<10240x128xf32, #tpu.memory_space<hbm>>) target(%arg8 : memref<80x128xf32, #tpu.memory_space<vmem>>) offsets(%dma_start3A_43 : memref<80xi32, #tpu.memory_space<vmem>>) semaphore(%arg11 : memref<!tpu.dma_semaphore, #tpu.memory_space<semaphore_mem>>)
      %add3A_47 = arith.constant 1 : i32
      %add3A_48 = arith.addi %add3A_24, %add3A_47 : i32
      %dma_wait3A_49 = arith.constant 0 : i32
      %dma_wait3A_50 = tpu.memref_slice %arg6[%add3A_48, %dma_wait3A_49] : memref<125x80xi32, #tpu.memory_space<vmem>> -> memref<1x80xi32, #tpu.memory_space<vmem>>
      %dma_wait3A_51 = tpu.memref_squeeze %dma_wait3A_50 : memref<1x80xi32, #tpu.memory_space<vmem>> -> memref<80xi32, #tpu.memory_space<vmem>>
      %dma_wait3A_52 = arith.constant 0 : i32
      %dma_wait3A_53 = arith.constant 0 : i32
      %dma_wait3A_54 = tpu.memref_slice %arg2[%dma_wait3A_52, %dma_wait3A_53] : memref<10240x128xf32, #tpu.memory_space<hbm>> -> memref<10240x128xf32, #tpu.memory_space<hbm>>
      tpu.wait_indirect_dma semaphore(%arg12 : memref<!tpu.dma_semaphore, #tpu.memory_space<semaphore_mem>>) src(%dma_wait3A_54 : memref<10240x128xf32, #tpu.memory_space<hbm>>) dst(%arg9 : memref<80x128xf32, #tpu.memory_space<vmem>>)
      %add3A_55 = arith.constant 1 : i32
      %add3A_56 = arith.addi %add3A_24, %add3A_55 : i32
      "tpu.region"() ({
        %run_scoped3A_57 = tpu.sem_alloc : memref<!tpu.dma_semaphore, #tpu.memory_space<semaphore_mem>>
        %dma_start3A_58 = arith.constant 0 : i32
        %dma_start3A_59 = tpu.memref_slice %arg7[%add3A_56, %dma_start3A_58] : memref<125x80xi32, #tpu.memory_space<vmem>> -> memref<1x80xi32, #tpu.memory_space<vmem>>
        %dma_start3A_60 = tpu.memref_squeeze %dma_start3A_59 : memref<1x80xi32, #tpu.memory_space<vmem>> -> memref<80xi32, #tpu.memory_space<vmem>>
        %dma_start3A_61 = arith.constant 0 : i32
        %dma_start3A_62 = arith.constant 0 : i32
        %dma_start3A_63 = tpu.memref_slice %arg10[%dma_start3A_61, %dma_start3A_62] : memref<10240x128xf32, #tpu.memory_space<vmem_shared>> -> memref<10240x128xf32, #tpu.memory_space<vmem_shared>>
        tpu.enqueue_indirect_dma source(%arg9 : memref<80x128xf32, #tpu.memory_space<vmem>>) target(%dma_start3A_63 : memref<10240x128xf32, #tpu.memory_space<vmem_shared>>) offsets(%dma_start3A_60 : memref<80xi32, #tpu.memory_space<vmem>>) semaphore(%run_scoped3A_57 : memref<!tpu.dma_semaphore, #tpu.memory_space<semaphore_mem>>) {add = true}
        %dma_wait3A_64 = arith.constant 0 : i32
        %dma_wait3A_65 = tpu.memref_slice %arg7[%add3A_56, %dma_wait3A_64] : memref<125x80xi32, #tpu.memory_space<vmem>> -> memref<1x80xi32, #tpu.memory_space<vmem>>
        %dma_wait3A_66 = tpu.memref_squeeze %dma_wait3A_65 : memref<1x80xi32, #tpu.memory_space<vmem>> -> memref<80xi32, #tpu.memory_space<vmem>>
        %dma_wait3A_67 = arith.constant 0 : i32
        %dma_wait3A_68 = arith.constant 0 : i32
        %dma_wait3A_69 = tpu.memref_slice %arg10[%dma_wait3A_67, %dma_wait3A_68] : memref<10240x128xf32, #tpu.memory_space<vmem_shared>> -> memref<10240x128xf32, #tpu.memory_space<vmem_shared>>
        tpu.wait_indirect_dma semaphore(%run_scoped3A_57 : memref<!tpu.dma_semaphore, #tpu.memory_space<semaphore_mem>>) src(%arg9 : memref<80x128xf32, #tpu.memory_space<vmem>>) dst(%dma_wait3A_69 : memref<10240x128xf32, #tpu.memory_space<vmem_shared>>)
        tpu.yield
      }) : () -> ()
    }
    %scan3A_12 = arith.constant 62 : i32
    %dma_wait3A = arith.constant 124 : i32
    %dma_wait3A_13 = arith.constant 0 : i32
    %dma_wait3A_14 = tpu.memref_slice %arg6[%dma_wait3A, %dma_wait3A_13] : memref<125x80xi32, #tpu.memory_space<vmem>> -> memref<1x80xi32, #tpu.memory_space<vmem>>
    %dma_wait3A_15 = tpu.memref_squeeze %dma_wait3A_14 : memref<1x80xi32, #tpu.memory_space<vmem>> -> memref<80xi32, #tpu.memory_space<vmem>>
    %dma_wait3A_16 = arith.constant 0 : i32
    %dma_wait3A_17 = arith.constant 0 : i32
    %dma_wait3A_18 = tpu.memref_slice %arg2[%dma_wait3A_16, %dma_wait3A_17] : memref<10240x128xf32, #tpu.memory_space<hbm>> -> memref<10240x128xf32, #tpu.memory_space<hbm>>
    tpu.wait_indirect_dma semaphore(%arg11 : memref<!tpu.dma_semaphore, #tpu.memory_space<semaphore_mem>>) src(%dma_wait3A_18 : memref<10240x128xf32, #tpu.memory_space<hbm>>) dst(%arg8 : memref<80x128xf32, #tpu.memory_space<vmem>>)
    %run_scoped3A = arith.constant 124 : i32
    "tpu.region"() ({
      %run_scoped3A_20 = tpu.sem_alloc : memref<!tpu.dma_semaphore, #tpu.memory_space<semaphore_mem>>
      %dma_start3A_21 = arith.constant 0 : i32
      %dma_start3A_22 = tpu.memref_slice %arg7[%run_scoped3A, %dma_start3A_21] : memref<125x80xi32, #tpu.memory_space<vmem>> -> memref<1x80xi32, #tpu.memory_space<vmem>>
      %dma_start3A_23 = tpu.memref_squeeze %dma_start3A_22 : memref<1x80xi32, #tpu.memory_space<vmem>> -> memref<80xi32, #tpu.memory_space<vmem>>
      %dma_start3A_24 = arith.constant 0 : i32
      %dma_start3A_25 = arith.constant 0 : i32
      %dma_start3A_26 = tpu.memref_slice %arg10[%dma_start3A_24, %dma_start3A_25] : memref<10240x128xf32, #tpu.memory_space<vmem_shared>> -> memref<10240x128xf32, #tpu.memory_space<vmem_shared>>
      tpu.enqueue_indirect_dma source(%arg8 : memref<80x128xf32, #tpu.memory_space<vmem>>) target(%dma_start3A_26 : memref<10240x128xf32, #tpu.memory_space<vmem_shared>>) offsets(%dma_start3A_23 : memref<80xi32, #tpu.memory_space<vmem>>) semaphore(%run_scoped3A_20 : memref<!tpu.dma_semaphore, #tpu.memory_space<semaphore_mem>>) {add = true}
      %dma_wait3A_27 = arith.constant 0 : i32
      %dma_wait3A_28 = tpu.memref_slice %arg7[%run_scoped3A, %dma_wait3A_27] : memref<125x80xi32, #tpu.memory_space<vmem>> -> memref<1x80xi32, #tpu.memory_space<vmem>>
      %dma_wait3A_29 = tpu.memref_squeeze %dma_wait3A_28 : memref<1x80xi32, #tpu.memory_space<vmem>> -> memref<80xi32, #tpu.memory_space<vmem>>
      %dma_wait3A_30 = arith.constant 0 : i32
      %dma_wait3A_31 = arith.constant 0 : i32
      %dma_wait3A_32 = tpu.memref_slice %arg10[%dma_wait3A_30, %dma_wait3A_31] : memref<10240x128xf32, #tpu.memory_space<vmem_shared>> -> memref<10240x128xf32, #tpu.memory_space<vmem_shared>>
      tpu.wait_indirect_dma semaphore(%run_scoped3A_20 : memref<!tpu.dma_semaphore, #tpu.memory_space<semaphore_mem>>) src(%arg8 : memref<80x128xf32, #tpu.memory_space<vmem>>) dst(%dma_wait3A_32 : memref<10240x128xf32, #tpu.memory_space<vmem_shared>>)
      tpu.yield
    }) : () -> ()
    %barrier3A_19 = arith.constant 0 : index
    tpu.barrier barrier_id(%barrier3A_19)
    "tpu.region"() ({
      %run_scoped3A_20 = tpu.sem_alloc : memref<!tpu.dma_semaphore, #tpu.memory_space<semaphore_mem>>
      %dma_start3A_21 = arith.constant 0 : i32
      %dma_start3A_22 = tpu.memref_slice %arg5[%arg0, %mul3A_2, %dma_start3A_21] : memref<2x10240x128xf32, #tpu.memory_space<hbm>> -> memref<1x640x128xf32, #tpu.memory_space<hbm>>
      %dma_start3A_23 = tpu.memref_squeeze %dma_start3A_22 : memref<1x640x128xf32, #tpu.memory_space<hbm>> -> memref<640x128xf32, #tpu.memory_space<hbm>>
      %dma_start3A_24 = arith.constant 0 : i32
      %dma_start3A_25 = tpu.memref_slice %arg10[%mul3A_2, %dma_start3A_24] : memref<10240x128xf32, #tpu.memory_space<vmem_shared>> -> memref<640x128xf32, #tpu.memory_space<vmem_shared>>
      tpu.enqueue_dma source(%dma_start3A_25 : memref<640x128xf32, #tpu.memory_space<vmem_shared>>) target(%dma_start3A_23 : memref<640x128xf32, #tpu.memory_space<hbm>>) target_semaphore(%run_scoped3A_20 : memref<!tpu.dma_semaphore, #tpu.memory_space<semaphore_mem>>)
      %dma_wait3A_26 = arith.constant 0 : i32
      %dma_wait3A_27 = tpu.memref_slice %arg5[%arg0, %mul3A_2, %dma_wait3A_26] : memref<2x10240x128xf32, #tpu.memory_space<hbm>> -> memref<1x640x128xf32, #tpu.memory_space<hbm>>
      %dma_wait3A_28 = tpu.memref_squeeze %dma_wait3A_27 : memref<1x640x128xf32, #tpu.memory_space<hbm>> -> memref<640x128xf32, #tpu.memory_space<hbm>>
      %dma_wait3A_29 = arith.constant 0 : i32
      %dma_wait3A_30 = tpu.memref_slice %arg10[%mul3A_2, %dma_wait3A_29] : memref<10240x128xf32, #tpu.memory_space<vmem_shared>> -> memref<640x128xf32, #tpu.memory_space<vmem_shared>>
      tpu.wait_dma2 semaphore(%run_scoped3A_20 : memref<!tpu.dma_semaphore, #tpu.memory_space<semaphore_mem>>) src(%dma_wait3A_30 : memref<640x128xf32, #tpu.memory_space<vmem_shared>>) dst(%dma_wait3A_28 : memref<640x128xf32, #tpu.memory_space<hbm>>)
      tpu.yield
    }) : () -> ()
    return
  }
}

#map = affine_map<(d0, d1) -> (0, 0, 0)>
#map1 = affine_map<(d0, d1) -> (0, 0)>
module attributes {stable_mosaic.version = 14 : i64} {
  func.func @_deg_body(%arg0: i32, %arg1: i32, %arg2: memref<32x125x80xi32, #tpu.memory_space<hbm>>, %arg3: memref<10240x16xf32, #tpu.memory_space<hbm>>, %arg4: memref<80x16xf32, #tpu.memory_space<hbm>>, %arg5: memref<2x10240x16xf32, #tpu.memory_space<hbm>>, %arg6: memref<125x80xi32, #tpu.memory_space<vmem>>, %arg7: memref<80x16xf32, #tpu.memory_space<vmem>>, %arg8: memref<10240x16xf32, #tpu.memory_space<vmem_shared>>) attributes {dimension_semantics = [#tpu.dimension_semantics<core_parallel>, #tpu.dimension_semantics<subcore_parallel>], iteration_bounds = array<i64: 2, 16>, scalar_prefetch = 0 : i64, scratch_operands = 3 : i64, tpu.core_type = #tpu.core_type<sc_vector_subcore>, window_params = [{transform_indices = #map}, {transform_indices = #map1}, {transform_indices = #map1}, {transform_indices = #map}]} {
    %mul3A = arith.constant 2 : i32
    %mul3A_0 = arith.muli %arg1, %mul3A : i32
    %add3A = arith.addi %mul3A_0, %arg0 : i32
    "tpu.region"() ({
      %run_scoped3A = tpu.sem_alloc : memref<!tpu.dma_semaphore, #tpu.memory_space<semaphore_mem>>
      %dma_start3A = arith.constant 0 : i32
      %dma_start3A_8 = arith.constant 0 : i32
      %dma_start3A_9 = tpu.memref_slice %arg2[%add3A, %dma_start3A, %dma_start3A_8] : memref<32x125x80xi32, #tpu.memory_space<hbm>> -> memref<1x125x80xi32, #tpu.memory_space<hbm>>
      %dma_start3A_10 = tpu.memref_squeeze %dma_start3A_9 : memref<1x125x80xi32, #tpu.memory_space<hbm>> -> memref<125x80xi32, #tpu.memory_space<hbm>>
      %dma_start3A_11 = arith.constant 0 : i32
      %dma_start3A_12 = arith.constant 0 : i32
      %dma_start3A_13 = tpu.memref_slice %arg2[%add3A, %dma_start3A_11, %dma_start3A_12] : memref<32x125x80xi32, #tpu.memory_space<hbm>> -> memref<1x125x80xi32, #tpu.memory_space<hbm>>
      %dma_start3A_14 = tpu.memref_squeeze %dma_start3A_13 : memref<1x125x80xi32, #tpu.memory_space<hbm>> -> memref<125x80xi32, #tpu.memory_space<hbm>>
      tpu.enqueue_dma source(%dma_start3A_14 : memref<125x80xi32, #tpu.memory_space<hbm>>) target(%arg6 : memref<125x80xi32, #tpu.memory_space<vmem>>) target_semaphore(%run_scoped3A : memref<!tpu.dma_semaphore, #tpu.memory_space<semaphore_mem>>)
      %dma_wait3A = arith.constant 0 : i32
      %dma_wait3A_15 = arith.constant 0 : i32
      %dma_wait3A_16 = tpu.memref_slice %arg2[%add3A, %dma_wait3A, %dma_wait3A_15] : memref<32x125x80xi32, #tpu.memory_space<hbm>> -> memref<1x125x80xi32, #tpu.memory_space<hbm>>
      %dma_wait3A_17 = tpu.memref_squeeze %dma_wait3A_16 : memref<1x125x80xi32, #tpu.memory_space<hbm>> -> memref<125x80xi32, #tpu.memory_space<hbm>>
      %dma_wait3A_18 = arith.constant 0 : i32
      %dma_wait3A_19 = arith.constant 0 : i32
      %dma_wait3A_20 = tpu.memref_slice %arg2[%add3A, %dma_wait3A_18, %dma_wait3A_19] : memref<32x125x80xi32, #tpu.memory_space<hbm>> -> memref<1x125x80xi32, #tpu.memory_space<hbm>>
      %dma_wait3A_21 = tpu.memref_squeeze %dma_wait3A_20 : memref<1x125x80xi32, #tpu.memory_space<hbm>> -> memref<125x80xi32, #tpu.memory_space<hbm>>
      tpu.wait_dma2 semaphore(%run_scoped3A : memref<!tpu.dma_semaphore, #tpu.memory_space<semaphore_mem>>) src(%dma_wait3A_21 : memref<125x80xi32, #tpu.memory_space<hbm>>) dst(%arg6 : memref<125x80xi32, #tpu.memory_space<vmem>>)
      tpu.yield
    }) : () -> ()
    "tpu.region"() ({
      %run_scoped3A = tpu.sem_alloc : memref<!tpu.dma_semaphore, #tpu.memory_space<semaphore_mem>>
      tpu.enqueue_dma source(%arg4 : memref<80x16xf32, #tpu.memory_space<hbm>>) target(%arg7 : memref<80x16xf32, #tpu.memory_space<vmem>>) target_semaphore(%run_scoped3A : memref<!tpu.dma_semaphore, #tpu.memory_space<semaphore_mem>>)
      tpu.wait_dma2 semaphore(%run_scoped3A : memref<!tpu.dma_semaphore, #tpu.memory_space<semaphore_mem>>) src(%arg4 : memref<80x16xf32, #tpu.memory_space<hbm>>) dst(%arg7 : memref<80x16xf32, #tpu.memory_space<vmem>>)
      tpu.yield
    }) : () -> ()
    %mul3A_1 = arith.constant 640 : i32
    %mul3A_2 = arith.muli %arg1, %mul3A_1 : i32
    "tpu.region"() ({
      %run_scoped3A = tpu.sem_alloc : memref<!tpu.dma_semaphore, #tpu.memory_space<semaphore_mem>>
      %dma_start3A = arith.constant 0 : i32
      %dma_start3A_8 = tpu.memref_slice %arg8[%mul3A_2, %dma_start3A] : memref<10240x16xf32, #tpu.memory_space<vmem_shared>> -> memref<640x16xf32, #tpu.memory_space<vmem_shared>>
      %dma_start3A_9 = arith.constant 0 : i32
      %dma_start3A_10 = tpu.memref_slice %arg3[%mul3A_2, %dma_start3A_9] : memref<10240x16xf32, #tpu.memory_space<hbm>> -> memref<640x16xf32, #tpu.memory_space<hbm>>
      tpu.enqueue_dma source(%dma_start3A_10 : memref<640x16xf32, #tpu.memory_space<hbm>>) target(%dma_start3A_8 : memref<640x16xf32, #tpu.memory_space<vmem_shared>>) target_semaphore(%run_scoped3A : memref<!tpu.dma_semaphore, #tpu.memory_space<semaphore_mem>>)
      %dma_wait3A = arith.constant 0 : i32
      %dma_wait3A_11 = tpu.memref_slice %arg8[%mul3A_2, %dma_wait3A] : memref<10240x16xf32, #tpu.memory_space<vmem_shared>> -> memref<640x16xf32, #tpu.memory_space<vmem_shared>>
      %dma_wait3A_12 = arith.constant 0 : i32
      %dma_wait3A_13 = tpu.memref_slice %arg3[%mul3A_2, %dma_wait3A_12] : memref<10240x16xf32, #tpu.memory_space<hbm>> -> memref<640x16xf32, #tpu.memory_space<hbm>>
      tpu.wait_dma2 semaphore(%run_scoped3A : memref<!tpu.dma_semaphore, #tpu.memory_space<semaphore_mem>>) src(%dma_wait3A_13 : memref<640x16xf32, #tpu.memory_space<hbm>>) dst(%dma_wait3A_11 : memref<640x16xf32, #tpu.memory_space<vmem_shared>>)
      tpu.yield
    }) : () -> ()
    %barrier3A = arith.constant 0 : index
    tpu.barrier barrier_id(%barrier3A)
    %scan3A = arith.constant 0 : i32
    %scan3A_3 = arith.constant 125 : i32
    %scan3A_4 = arith.addi %scan3A, %scan3A_3 : i32
    %scan3A_5 = arith.constant 1 : i32
    scf.for %scan3A_8 = %scan3A to %scan3A_4 step %scan3A_5  : i32 {
      %mul3A_9 = arith.constant 1 : i32
      %mul3A_10 = arith.muli %scan3A_8, %mul3A_9 : i32
      %add3A_11 = arith.constant 0 : i32
      %add3A_12 = arith.addi %add3A_11, %mul3A_10 : i32
      "tpu.region"() ({
        %run_scoped3A = tpu.sem_alloc : memref<!tpu.dma_semaphore, #tpu.memory_space<semaphore_mem>>
        %dma_start3A = arith.constant 0 : i32
        %dma_start3A_13 = tpu.memref_slice %arg6[%add3A_12, %dma_start3A] : memref<125x80xi32, #tpu.memory_space<vmem>> -> memref<1x80xi32, #tpu.memory_space<vmem>>
        %dma_start3A_14 = tpu.memref_squeeze %dma_start3A_13 : memref<1x80xi32, #tpu.memory_space<vmem>> -> memref<80xi32, #tpu.memory_space<vmem>>
        %dma_start3A_15 = arith.constant 0 : i32
        %dma_start3A_16 = arith.constant 0 : i32
        %dma_start3A_17 = tpu.memref_slice %arg8[%dma_start3A_15, %dma_start3A_16] : memref<10240x16xf32, #tpu.memory_space<vmem_shared>> -> memref<10240x16xf32, #tpu.memory_space<vmem_shared>>
        tpu.enqueue_indirect_dma source(%arg7 : memref<80x16xf32, #tpu.memory_space<vmem>>) target(%dma_start3A_17 : memref<10240x16xf32, #tpu.memory_space<vmem_shared>>) offsets(%dma_start3A_14 : memref<80xi32, #tpu.memory_space<vmem>>) semaphore(%run_scoped3A : memref<!tpu.dma_semaphore, #tpu.memory_space<semaphore_mem>>) {add = true}
        %dma_wait3A = arith.constant 0 : i32
        %dma_wait3A_18 = tpu.memref_slice %arg6[%add3A_12, %dma_wait3A] : memref<125x80xi32, #tpu.memory_space<vmem>> -> memref<1x80xi32, #tpu.memory_space<vmem>>
        %dma_wait3A_19 = tpu.memref_squeeze %dma_wait3A_18 : memref<1x80xi32, #tpu.memory_space<vmem>> -> memref<80xi32, #tpu.memory_space<vmem>>
        %dma_wait3A_20 = arith.constant 0 : i32
        %dma_wait3A_21 = arith.constant 0 : i32
        %dma_wait3A_22 = tpu.memref_slice %arg8[%dma_wait3A_20, %dma_wait3A_21] : memref<10240x16xf32, #tpu.memory_space<vmem_shared>> -> memref<10240x16xf32, #tpu.memory_space<vmem_shared>>
        tpu.wait_indirect_dma semaphore(%run_scoped3A : memref<!tpu.dma_semaphore, #tpu.memory_space<semaphore_mem>>) src(%arg7 : memref<80x16xf32, #tpu.memory_space<vmem>>) dst(%dma_wait3A_22 : memref<10240x16xf32, #tpu.memory_space<vmem_shared>>)
        tpu.yield
      }) : () -> ()
    }
    %scan3A_6 = arith.constant 125 : i32
    %barrier3A_7 = arith.constant 0 : index
    tpu.barrier barrier_id(%barrier3A_7)
    "tpu.region"() ({
      %run_scoped3A = tpu.sem_alloc : memref<!tpu.dma_semaphore, #tpu.memory_space<semaphore_mem>>
      %dma_start3A = arith.constant 0 : i32
      %dma_start3A_8 = tpu.memref_slice %arg5[%arg0, %mul3A_2, %dma_start3A] : memref<2x10240x16xf32, #tpu.memory_space<hbm>> -> memref<1x640x16xf32, #tpu.memory_space<hbm>>
      %dma_start3A_9 = tpu.memref_squeeze %dma_start3A_8 : memref<1x640x16xf32, #tpu.memory_space<hbm>> -> memref<640x16xf32, #tpu.memory_space<hbm>>
      %dma_start3A_10 = arith.constant 0 : i32
      %dma_start3A_11 = tpu.memref_slice %arg8[%mul3A_2, %dma_start3A_10] : memref<10240x16xf32, #tpu.memory_space<vmem_shared>> -> memref<640x16xf32, #tpu.memory_space<vmem_shared>>
      tpu.enqueue_dma source(%dma_start3A_11 : memref<640x16xf32, #tpu.memory_space<vmem_shared>>) target(%dma_start3A_9 : memref<640x16xf32, #tpu.memory_space<hbm>>) target_semaphore(%run_scoped3A : memref<!tpu.dma_semaphore, #tpu.memory_space<semaphore_mem>>)
      %dma_wait3A = arith.constant 0 : i32
      %dma_wait3A_12 = tpu.memref_slice %arg5[%arg0, %mul3A_2, %dma_wait3A] : memref<2x10240x16xf32, #tpu.memory_space<hbm>> -> memref<1x640x16xf32, #tpu.memory_space<hbm>>
      %dma_wait3A_13 = tpu.memref_squeeze %dma_wait3A_12 : memref<1x640x16xf32, #tpu.memory_space<hbm>> -> memref<640x16xf32, #tpu.memory_space<hbm>>
      %dma_wait3A_14 = arith.constant 0 : i32
      %dma_wait3A_15 = tpu.memref_slice %arg8[%mul3A_2, %dma_wait3A_14] : memref<10240x16xf32, #tpu.memory_space<vmem_shared>> -> memref<640x16xf32, #tpu.memory_space<vmem_shared>>
      tpu.wait_dma2 semaphore(%run_scoped3A : memref<!tpu.dma_semaphore, #tpu.memory_space<semaphore_mem>>) src(%dma_wait3A_15 : memref<640x16xf32, #tpu.memory_space<vmem_shared>>) dst(%dma_wait3A_13 : memref<640x16xf32, #tpu.memory_space<hbm>>)
      tpu.yield
    }) : () -> ()
    return
  }
}

#map = affine_map<(d0, d1) -> (0, 0)>
#map1 = affine_map<(d0, d1) -> (0, 0, 0)>
module attributes {stable_mosaic.version = 14 : i64} {
  func.func @_spmm_body(%arg0: i32, %arg1: i32, %arg2: memref<10240x128xf32, #tpu.memory_space<hbm>>, %arg3: memref<32x125x80xi32, #tpu.memory_space<hbm>>, %arg4: memref<32x125x80xi32, #tpu.memory_space<hbm>>, %arg5: memref<2x10240x128xf32, #tpu.memory_space<hbm>>, %arg6: memref<125x80xi32, #tpu.memory_space<vmem>>, %arg7: memref<125x80xi32, #tpu.memory_space<vmem>>, %arg8: memref<80x128xf32, #tpu.memory_space<vmem>>, %arg9: memref<80x128xf32, #tpu.memory_space<vmem>>, %arg10: memref<10240x128xf32, #tpu.memory_space<vmem_shared>>, %arg11: memref<!tpu.dma_semaphore, #tpu.memory_space<semaphore_mem>>, %arg12: memref<!tpu.dma_semaphore, #tpu.memory_space<semaphore_mem>>) attributes {dimension_semantics = [#tpu.dimension_semantics<core_parallel>, #tpu.dimension_semantics<subcore_parallel>], iteration_bounds = array<i64: 2, 16>, scalar_prefetch = 0 : i64, scratch_operands = 7 : i64, tpu.core_type = #tpu.core_type<sc_vector_subcore>, window_params = [{transform_indices = #map}, {transform_indices = #map1}, {transform_indices = #map1}, {transform_indices = #map1}]} {
    %mul3A = arith.constant 2 : i32
    %mul3A_0 = arith.muli %arg1, %mul3A : i32
    %add3A = arith.addi %mul3A_0, %arg0 : i32
    "tpu.region"() ({
      %run_scoped3A_20 = tpu.sem_alloc : memref<!tpu.dma_semaphore, #tpu.memory_space<semaphore_mem>>
      %dma_start3A_21 = arith.constant 0 : i32
      %dma_start3A_22 = arith.constant 0 : i32
      %dma_start3A_23 = tpu.memref_slice %arg3[%add3A, %dma_start3A_21, %dma_start3A_22] : memref<32x125x80xi32, #tpu.memory_space<hbm>> -> memref<1x125x80xi32, #tpu.memory_space<hbm>>
      %dma_start3A_24 = tpu.memref_squeeze %dma_start3A_23 : memref<1x125x80xi32, #tpu.memory_space<hbm>> -> memref<125x80xi32, #tpu.memory_space<hbm>>
      %dma_start3A_25 = arith.constant 0 : i32
      %dma_start3A_26 = arith.constant 0 : i32
      %dma_start3A_27 = tpu.memref_slice %arg3[%add3A, %dma_start3A_25, %dma_start3A_26] : memref<32x125x80xi32, #tpu.memory_space<hbm>> -> memref<1x125x80xi32, #tpu.memory_space<hbm>>
      %dma_start3A_28 = tpu.memref_squeeze %dma_start3A_27 : memref<1x125x80xi32, #tpu.memory_space<hbm>> -> memref<125x80xi32, #tpu.memory_space<hbm>>
      tpu.enqueue_dma source(%dma_start3A_28 : memref<125x80xi32, #tpu.memory_space<hbm>>) target(%arg6 : memref<125x80xi32, #tpu.memory_space<vmem>>) target_semaphore(%run_scoped3A_20 : memref<!tpu.dma_semaphore, #tpu.memory_space<semaphore_mem>>)
      %dma_wait3A_29 = arith.constant 0 : i32
      %dma_wait3A_30 = arith.constant 0 : i32
      %dma_wait3A_31 = tpu.memref_slice %arg3[%add3A, %dma_wait3A_29, %dma_wait3A_30] : memref<32x125x80xi32, #tpu.memory_space<hbm>> -> memref<1x125x80xi32, #tpu.memory_space<hbm>>
      %dma_wait3A_32 = tpu.memref_squeeze %dma_wait3A_31 : memref<1x125x80xi32, #tpu.memory_space<hbm>> -> memref<125x80xi32, #tpu.memory_space<hbm>>
      %dma_wait3A_33 = arith.constant 0 : i32
      %dma_wait3A_34 = arith.constant 0 : i32
      %dma_wait3A_35 = tpu.memref_slice %arg3[%add3A, %dma_wait3A_33, %dma_wait3A_34] : memref<32x125x80xi32, #tpu.memory_space<hbm>> -> memref<1x125x80xi32, #tpu.memory_space<hbm>>
      %dma_wait3A_36 = tpu.memref_squeeze %dma_wait3A_35 : memref<1x125x80xi32, #tpu.memory_space<hbm>> -> memref<125x80xi32, #tpu.memory_space<hbm>>
      tpu.wait_dma2 semaphore(%run_scoped3A_20 : memref<!tpu.dma_semaphore, #tpu.memory_space<semaphore_mem>>) src(%dma_wait3A_36 : memref<125x80xi32, #tpu.memory_space<hbm>>) dst(%arg6 : memref<125x80xi32, #tpu.memory_space<vmem>>)
      tpu.yield
    }) : () -> ()
    "tpu.region"() ({
      %run_scoped3A_20 = tpu.sem_alloc : memref<!tpu.dma_semaphore, #tpu.memory_space<semaphore_mem>>
      %dma_start3A_21 = arith.constant 0 : i32
      %dma_start3A_22 = arith.constant 0 : i32
      %dma_start3A_23 = tpu.memref_slice %arg4[%add3A, %dma_start3A_21, %dma_start3A_22] : memref<32x125x80xi32, #tpu.memory_space<hbm>> -> memref<1x125x80xi32, #tpu.memory_space<hbm>>
      %dma_start3A_24 = tpu.memref_squeeze %dma_start3A_23 : memref<1x125x80xi32, #tpu.memory_space<hbm>> -> memref<125x80xi32, #tpu.memory_space<hbm>>
      %dma_start3A_25 = arith.constant 0 : i32
      %dma_start3A_26 = arith.constant 0 : i32
      %dma_start3A_27 = tpu.memref_slice %arg4[%add3A, %dma_start3A_25, %dma_start3A_26] : memref<32x125x80xi32, #tpu.memory_space<hbm>> -> memref<1x125x80xi32, #tpu.memory_space<hbm>>
      %dma_start3A_28 = tpu.memref_squeeze %dma_start3A_27 : memref<1x125x80xi32, #tpu.memory_space<hbm>> -> memref<125x80xi32, #tpu.memory_space<hbm>>
      tpu.enqueue_dma source(%dma_start3A_28 : memref<125x80xi32, #tpu.memory_space<hbm>>) target(%arg7 : memref<125x80xi32, #tpu.memory_space<vmem>>) target_semaphore(%run_scoped3A_20 : memref<!tpu.dma_semaphore, #tpu.memory_space<semaphore_mem>>)
      %dma_wait3A_29 = arith.constant 0 : i32
      %dma_wait3A_30 = arith.constant 0 : i32
      %dma_wait3A_31 = tpu.memref_slice %arg4[%add3A, %dma_wait3A_29, %dma_wait3A_30] : memref<32x125x80xi32, #tpu.memory_space<hbm>> -> memref<1x125x80xi32, #tpu.memory_space<hbm>>
      %dma_wait3A_32 = tpu.memref_squeeze %dma_wait3A_31 : memref<1x125x80xi32, #tpu.memory_space<hbm>> -> memref<125x80xi32, #tpu.memory_space<hbm>>
      %dma_wait3A_33 = arith.constant 0 : i32
      %dma_wait3A_34 = arith.constant 0 : i32
      %dma_wait3A_35 = tpu.memref_slice %arg4[%add3A, %dma_wait3A_33, %dma_wait3A_34] : memref<32x125x80xi32, #tpu.memory_space<hbm>> -> memref<1x125x80xi32, #tpu.memory_space<hbm>>
      %dma_wait3A_36 = tpu.memref_squeeze %dma_wait3A_35 : memref<1x125x80xi32, #tpu.memory_space<hbm>> -> memref<125x80xi32, #tpu.memory_space<hbm>>
      tpu.wait_dma2 semaphore(%run_scoped3A_20 : memref<!tpu.dma_semaphore, #tpu.memory_space<semaphore_mem>>) src(%dma_wait3A_36 : memref<125x80xi32, #tpu.memory_space<hbm>>) dst(%arg7 : memref<125x80xi32, #tpu.memory_space<vmem>>)
      tpu.yield
    }) : () -> ()
    %mul3A_1 = arith.constant 640 : i32
    %mul3A_2 = arith.muli %arg1, %mul3A_1 : i32
    "tpu.region"() ({
      %run_scoped3A_20 = tpu.sem_alloc : memref<!tpu.dma_semaphore, #tpu.memory_space<semaphore_mem>>
      %dma_start3A_21 = arith.constant 0 : i32
      %dma_start3A_22 = tpu.memref_slice %arg10[%mul3A_2, %dma_start3A_21] : memref<10240x128xf32, #tpu.memory_space<vmem_shared>> -> memref<640x128xf32, #tpu.memory_space<vmem_shared>>
      %dma_start3A_23 = arith.constant 0 : i32
      %dma_start3A_24 = tpu.memref_slice %arg2[%mul3A_2, %dma_start3A_23] : memref<10240x128xf32, #tpu.memory_space<hbm>> -> memref<640x128xf32, #tpu.memory_space<hbm>>
      tpu.enqueue_dma source(%dma_start3A_24 : memref<640x128xf32, #tpu.memory_space<hbm>>) target(%dma_start3A_22 : memref<640x128xf32, #tpu.memory_space<vmem_shared>>) target_semaphore(%run_scoped3A_20 : memref<!tpu.dma_semaphore, #tpu.memory_space<semaphore_mem>>)
      %dma_wait3A_25 = arith.constant 0 : i32
      %dma_wait3A_26 = tpu.memref_slice %arg10[%mul3A_2, %dma_wait3A_25] : memref<10240x128xf32, #tpu.memory_space<vmem_shared>> -> memref<640x128xf32, #tpu.memory_space<vmem_shared>>
      %dma_wait3A_27 = arith.constant 0 : i32
      %dma_wait3A_28 = tpu.memref_slice %arg2[%mul3A_2, %dma_wait3A_27] : memref<10240x128xf32, #tpu.memory_space<hbm>> -> memref<640x128xf32, #tpu.memory_space<hbm>>
      tpu.wait_dma2 semaphore(%run_scoped3A_20 : memref<!tpu.dma_semaphore, #tpu.memory_space<semaphore_mem>>) src(%dma_wait3A_28 : memref<640x128xf32, #tpu.memory_space<hbm>>) dst(%dma_wait3A_26 : memref<640x128xf32, #tpu.memory_space<vmem_shared>>)
      tpu.yield
    }) : () -> ()
    %barrier3A = arith.constant 0 : index
    tpu.barrier barrier_id(%barrier3A)
    %dma_start3A = arith.constant 0 : i32
    %dma_start3A_3 = arith.constant 0 : i32
    %dma_start3A_4 = tpu.memref_slice %arg6[%dma_start3A, %dma_start3A_3] : memref<125x80xi32, #tpu.memory_space<vmem>> -> memref<1x80xi32, #tpu.memory_space<vmem>>
    %dma_start3A_5 = tpu.memref_squeeze %dma_start3A_4 : memref<1x80xi32, #tpu.memory_space<vmem>> -> memref<80xi32, #tpu.memory_space<vmem>>
    %dma_start3A_6 = arith.constant 0 : i32
    %dma_start3A_7 = arith.constant 0 : i32
    %dma_start3A_8 = tpu.memref_slice %arg2[%dma_start3A_6, %dma_start3A_7] : memref<10240x128xf32, #tpu.memory_space<hbm>> -> memref<10240x128xf32, #tpu.memory_space<hbm>>
    tpu.enqueue_indirect_dma source(%dma_start3A_8 : memref<10240x128xf32, #tpu.memory_space<hbm>>) target(%arg8 : memref<80x128xf32, #tpu.memory_space<vmem>>) offsets(%dma_start3A_5 : memref<80xi32, #tpu.memory_space<vmem>>) semaphore(%arg11 : memref<!tpu.dma_semaphore, #tpu.memory_space<semaphore_mem>>)
    %scan3A = arith.constant 0 : i32
    %scan3A_9 = arith.constant 62 : i32
    %scan3A_10 = arith.addi %scan3A, %scan3A_9 : i32
    %scan3A_11 = arith.constant 1 : i32
    scf.for %scan3A_20 = %scan3A to %scan3A_10 step %scan3A_11  : i32 {
      %mul3A_21 = arith.constant 2 : i32
      %mul3A_22 = arith.muli %scan3A_20, %mul3A_21 : i32
      %add3A_23 = arith.constant 0 : i32
      %add3A_24 = arith.addi %add3A_23, %mul3A_22 : i32
      %add3A_25 = arith.constant 1 : i32
      %add3A_26 = arith.addi %add3A_24, %add3A_25 : i32
      %dma_start3A_27 = arith.constant 0 : i32
      %dma_start3A_28 = tpu.memref_slice %arg6[%add3A_26, %dma_start3A_27] : memref<125x80xi32, #tpu.memory_space<vmem>> -> memref<1x80xi32, #tpu.memory_space<vmem>>
      %dma_start3A_29 = tpu.memref_squeeze %dma_start3A_28 : memref<1x80xi32, #tpu.memory_space<vmem>> -> memref<80xi32, #tpu.memory_space<vmem>>
      %dma_start3A_30 = arith.constant 0 : i32
      %dma_start3A_31 = arith.constant 0 : i32
      %dma_start3A_32 = tpu.memref_slice %arg2[%dma_start3A_30, %dma_start3A_31] : memref<10240x128xf32, #tpu.memory_space<hbm>> -> memref<10240x128xf32, #tpu.memory_space<hbm>>
      tpu.enqueue_indirect_dma source(%dma_start3A_32 : memref<10240x128xf32, #tpu.memory_space<hbm>>) target(%arg9 : memref<80x128xf32, #tpu.memory_space<vmem>>) offsets(%dma_start3A_29 : memref<80xi32, #tpu.memory_space<vmem>>) semaphore(%arg12 : memref<!tpu.dma_semaphore, #tpu.memory_space<semaphore_mem>>)
      %dma_wait3A_33 = arith.constant 0 : i32
      %dma_wait3A_34 = tpu.memref_slice %arg6[%add3A_24, %dma_wait3A_33] : memref<125x80xi32, #tpu.memory_space<vmem>> -> memref<1x80xi32, #tpu.memory_space<vmem>>
      %dma_wait3A_35 = tpu.memref_squeeze %dma_wait3A_34 : memref<1x80xi32, #tpu.memory_space<vmem>> -> memref<80xi32, #tpu.memory_space<vmem>>
      %dma_wait3A_36 = arith.constant 0 : i32
      %dma_wait3A_37 = arith.constant 0 : i32
      %dma_wait3A_38 = tpu.memref_slice %arg2[%dma_wait3A_36, %dma_wait3A_37] : memref<10240x128xf32, #tpu.memory_space<hbm>> -> memref<10240x128xf32, #tpu.memory_space<hbm>>
      tpu.wait_indirect_dma semaphore(%arg11 : memref<!tpu.dma_semaphore, #tpu.memory_space<semaphore_mem>>) src(%dma_wait3A_38 : memref<10240x128xf32, #tpu.memory_space<hbm>>) dst(%arg8 : memref<80x128xf32, #tpu.memory_space<vmem>>)
      "tpu.region"() ({
        %run_scoped3A_57 = tpu.sem_alloc : memref<!tpu.dma_semaphore, #tpu.memory_space<semaphore_mem>>
        %dma_start3A_58 = arith.constant 0 : i32
        %dma_start3A_59 = tpu.memref_slice %arg7[%add3A_24, %dma_start3A_58] : memref<125x80xi32, #tpu.memory_space<vmem>> -> memref<1x80xi32, #tpu.memory_space<vmem>>
        %dma_start3A_60 = tpu.memref_squeeze %dma_start3A_59 : memref<1x80xi32, #tpu.memory_space<vmem>> -> memref<80xi32, #tpu.memory_space<vmem>>
        %dma_start3A_61 = arith.constant 0 : i32
        %dma_start3A_62 = arith.constant 0 : i32
        %dma_start3A_63 = tpu.memref_slice %arg10[%dma_start3A_61, %dma_start3A_62] : memref<10240x128xf32, #tpu.memory_space<vmem_shared>> -> memref<10240x128xf32, #tpu.memory_space<vmem_shared>>
        tpu.enqueue_indirect_dma source(%arg8 : memref<80x128xf32, #tpu.memory_space<vmem>>) target(%dma_start3A_63 : memref<10240x128xf32, #tpu.memory_space<vmem_shared>>) offsets(%dma_start3A_60 : memref<80xi32, #tpu.memory_space<vmem>>) semaphore(%run_scoped3A_57 : memref<!tpu.dma_semaphore, #tpu.memory_space<semaphore_mem>>) {add = true}
        %dma_wait3A_64 = arith.constant 0 : i32
        %dma_wait3A_65 = tpu.memref_slice %arg7[%add3A_24, %dma_wait3A_64] : memref<125x80xi32, #tpu.memory_space<vmem>> -> memref<1x80xi32, #tpu.memory_space<vmem>>
        %dma_wait3A_66 = tpu.memref_squeeze %dma_wait3A_65 : memref<1x80xi32, #tpu.memory_space<vmem>> -> memref<80xi32, #tpu.memory_space<vmem>>
        %dma_wait3A_67 = arith.constant 0 : i32
        %dma_wait3A_68 = arith.constant 0 : i32
        %dma_wait3A_69 = tpu.memref_slice %arg10[%dma_wait3A_67, %dma_wait3A_68] : memref<10240x128xf32, #tpu.memory_space<vmem_shared>> -> memref<10240x128xf32, #tpu.memory_space<vmem_shared>>
        tpu.wait_indirect_dma semaphore(%run_scoped3A_57 : memref<!tpu.dma_semaphore, #tpu.memory_space<semaphore_mem>>) src(%arg8 : memref<80x128xf32, #tpu.memory_space<vmem>>) dst(%dma_wait3A_69 : memref<10240x128xf32, #tpu.memory_space<vmem_shared>>)
        tpu.yield
      }) : () -> ()
      %add3A_39 = arith.constant 2 : i32
      %add3A_40 = arith.addi %add3A_24, %add3A_39 : i32
      %dma_start3A_41 = arith.constant 0 : i32
      %dma_start3A_42 = tpu.memref_slice %arg6[%add3A_40, %dma_start3A_41] : memref<125x80xi32, #tpu.memory_space<vmem>> -> memref<1x80xi32, #tpu.memory_space<vmem>>
      %dma_start3A_43 = tpu.memref_squeeze %dma_start3A_42 : memref<1x80xi32, #tpu.memory_space<vmem>> -> memref<80xi32, #tpu.memory_space<vmem>>
      %dma_start3A_44 = arith.constant 0 : i32
      %dma_start3A_45 = arith.constant 0 : i32
      %dma_start3A_46 = tpu.memref_slice %arg2[%dma_start3A_44, %dma_start3A_45] : memref<10240x128xf32, #tpu.memory_space<hbm>> -> memref<10240x128xf32, #tpu.memory_space<hbm>>
      tpu.enqueue_indirect_dma source(%dma_start3A_46 : memref<10240x128xf32, #tpu.memory_space<hbm>>) target(%arg8 : memref<80x128xf32, #tpu.memory_space<vmem>>) offsets(%dma_start3A_43 : memref<80xi32, #tpu.memory_space<vmem>>) semaphore(%arg11 : memref<!tpu.dma_semaphore, #tpu.memory_space<semaphore_mem>>)
      %add3A_47 = arith.constant 1 : i32
      %add3A_48 = arith.addi %add3A_24, %add3A_47 : i32
      %dma_wait3A_49 = arith.constant 0 : i32
      %dma_wait3A_50 = tpu.memref_slice %arg6[%add3A_48, %dma_wait3A_49] : memref<125x80xi32, #tpu.memory_space<vmem>> -> memref<1x80xi32, #tpu.memory_space<vmem>>
      %dma_wait3A_51 = tpu.memref_squeeze %dma_wait3A_50 : memref<1x80xi32, #tpu.memory_space<vmem>> -> memref<80xi32, #tpu.memory_space<vmem>>
      %dma_wait3A_52 = arith.constant 0 : i32
      %dma_wait3A_53 = arith.constant 0 : i32
      %dma_wait3A_54 = tpu.memref_slice %arg2[%dma_wait3A_52, %dma_wait3A_53] : memref<10240x128xf32, #tpu.memory_space<hbm>> -> memref<10240x128xf32, #tpu.memory_space<hbm>>
      tpu.wait_indirect_dma semaphore(%arg12 : memref<!tpu.dma_semaphore, #tpu.memory_space<semaphore_mem>>) src(%dma_wait3A_54 : memref<10240x128xf32, #tpu.memory_space<hbm>>) dst(%arg9 : memref<80x128xf32, #tpu.memory_space<vmem>>)
      %add3A_55 = arith.constant 1 : i32
      %add3A_56 = arith.addi %add3A_24, %add3A_55 : i32
      "tpu.region"() ({
        %run_scoped3A_57 = tpu.sem_alloc : memref<!tpu.dma_semaphore, #tpu.memory_space<semaphore_mem>>
        %dma_start3A_58 = arith.constant 0 : i32
        %dma_start3A_59 = tpu.memref_slice %arg7[%add3A_56, %dma_start3A_58] : memref<125x80xi32, #tpu.memory_space<vmem>> -> memref<1x80xi32, #tpu.memory_space<vmem>>
        %dma_start3A_60 = tpu.memref_squeeze %dma_start3A_59 : memref<1x80xi32, #tpu.memory_space<vmem>> -> memref<80xi32, #tpu.memory_space<vmem>>
        %dma_start3A_61 = arith.constant 0 : i32
        %dma_start3A_62 = arith.constant 0 : i32
        %dma_start3A_63 = tpu.memref_slice %arg10[%dma_start3A_61, %dma_start3A_62] : memref<10240x128xf32, #tpu.memory_space<vmem_shared>> -> memref<10240x128xf32, #tpu.memory_space<vmem_shared>>
        tpu.enqueue_indirect_dma source(%arg9 : memref<80x128xf32, #tpu.memory_space<vmem>>) target(%dma_start3A_63 : memref<10240x128xf32, #tpu.memory_space<vmem_shared>>) offsets(%dma_start3A_60 : memref<80xi32, #tpu.memory_space<vmem>>) semaphore(%run_scoped3A_57 : memref<!tpu.dma_semaphore, #tpu.memory_space<semaphore_mem>>) {add = true}
        %dma_wait3A_64 = arith.constant 0 : i32
        %dma_wait3A_65 = tpu.memref_slice %arg7[%add3A_56, %dma_wait3A_64] : memref<125x80xi32, #tpu.memory_space<vmem>> -> memref<1x80xi32, #tpu.memory_space<vmem>>
        %dma_wait3A_66 = tpu.memref_squeeze %dma_wait3A_65 : memref<1x80xi32, #tpu.memory_space<vmem>> -> memref<80xi32, #tpu.memory_space<vmem>>
        %dma_wait3A_67 = arith.constant 0 : i32
        %dma_wait3A_68 = arith.constant 0 : i32
        %dma_wait3A_69 = tpu.memref_slice %arg10[%dma_wait3A_67, %dma_wait3A_68] : memref<10240x128xf32, #tpu.memory_space<vmem_shared>> -> memref<10240x128xf32, #tpu.memory_space<vmem_shared>>
        tpu.wait_indirect_dma semaphore(%run_scoped3A_57 : memref<!tpu.dma_semaphore, #tpu.memory_space<semaphore_mem>>) src(%arg9 : memref<80x128xf32, #tpu.memory_space<vmem>>) dst(%dma_wait3A_69 : memref<10240x128xf32, #tpu.memory_space<vmem_shared>>)
        tpu.yield
      }) : () -> ()
    }
    %scan3A_12 = arith.constant 62 : i32
    %dma_wait3A = arith.constant 124 : i32
    %dma_wait3A_13 = arith.constant 0 : i32
    %dma_wait3A_14 = tpu.memref_slice %arg6[%dma_wait3A, %dma_wait3A_13] : memref<125x80xi32, #tpu.memory_space<vmem>> -> memref<1x80xi32, #tpu.memory_space<vmem>>
    %dma_wait3A_15 = tpu.memref_squeeze %dma_wait3A_14 : memref<1x80xi32, #tpu.memory_space<vmem>> -> memref<80xi32, #tpu.memory_space<vmem>>
    %dma_wait3A_16 = arith.constant 0 : i32
    %dma_wait3A_17 = arith.constant 0 : i32
    %dma_wait3A_18 = tpu.memref_slice %arg2[%dma_wait3A_16, %dma_wait3A_17] : memref<10240x128xf32, #tpu.memory_space<hbm>> -> memref<10240x128xf32, #tpu.memory_space<hbm>>
    tpu.wait_indirect_dma semaphore(%arg11 : memref<!tpu.dma_semaphore, #tpu.memory_space<semaphore_mem>>) src(%dma_wait3A_18 : memref<10240x128xf32, #tpu.memory_space<hbm>>) dst(%arg8 : memref<80x128xf32, #tpu.memory_space<vmem>>)
    %run_scoped3A = arith.constant 124 : i32
    "tpu.region"() ({
      %run_scoped3A_20 = tpu.sem_alloc : memref<!tpu.dma_semaphore, #tpu.memory_space<semaphore_mem>>
      %dma_start3A_21 = arith.constant 0 : i32
      %dma_start3A_22 = tpu.memref_slice %arg7[%run_scoped3A, %dma_start3A_21] : memref<125x80xi32, #tpu.memory_space<vmem>> -> memref<1x80xi32, #tpu.memory_space<vmem>>
      %dma_start3A_23 = tpu.memref_squeeze %dma_start3A_22 : memref<1x80xi32, #tpu.memory_space<vmem>> -> memref<80xi32, #tpu.memory_space<vmem>>
      %dma_start3A_24 = arith.constant 0 : i32
      %dma_start3A_25 = arith.constant 0 : i32
      %dma_start3A_26 = tpu.memref_slice %arg10[%dma_start3A_24, %dma_start3A_25] : memref<10240x128xf32, #tpu.memory_space<vmem_shared>> -> memref<10240x128xf32, #tpu.memory_space<vmem_shared>>
      tpu.enqueue_indirect_dma source(%arg8 : memref<80x128xf32, #tpu.memory_space<vmem>>) target(%dma_start3A_26 : memref<10240x128xf32, #tpu.memory_space<vmem_shared>>) offsets(%dma_start3A_23 : memref<80xi32, #tpu.memory_space<vmem>>) semaphore(%run_scoped3A_20 : memref<!tpu.dma_semaphore, #tpu.memory_space<semaphore_mem>>) {add = true}
      %dma_wait3A_27 = arith.constant 0 : i32
      %dma_wait3A_28 = tpu.memref_slice %arg7[%run_scoped3A, %dma_wait3A_27] : memref<125x80xi32, #tpu.memory_space<vmem>> -> memref<1x80xi32, #tpu.memory_space<vmem>>
      %dma_wait3A_29 = tpu.memref_squeeze %dma_wait3A_28 : memref<1x80xi32, #tpu.memory_space<vmem>> -> memref<80xi32, #tpu.memory_space<vmem>>
      %dma_wait3A_30 = arith.constant 0 : i32
      %dma_wait3A_31 = arith.constant 0 : i32
      %dma_wait3A_32 = tpu.memref_slice %arg10[%dma_wait3A_30, %dma_wait3A_31] : memref<10240x128xf32, #tpu.memory_space<vmem_shared>> -> memref<10240x128xf32, #tpu.memory_space<vmem_shared>>
      tpu.wait_indirect_dma semaphore(%run_scoped3A_20 : memref<!tpu.dma_semaphore, #tpu.memory_space<semaphore_mem>>) src(%arg8 : memref<80x128xf32, #tpu.memory_space<vmem>>) dst(%dma_wait3A_32 : memref<10240x128xf32, #tpu.memory_space<vmem_shared>>)
      tpu.yield
    }) : () -> ()
    %barrier3A_19 = arith.constant 0 : index
    tpu.barrier barrier_id(%barrier3A_19)
    "tpu.region"() ({
      %run_scoped3A_20 = tpu.sem_alloc : memref<!tpu.dma_semaphore, #tpu.memory_space<semaphore_mem>>
      %dma_start3A_21 = arith.constant 0 : i32
      %dma_start3A_22 = tpu.memref_slice %arg5[%arg0, %mul3A_2, %dma_start3A_21] : memref<2x10240x128xf32, #tpu.memory_space<hbm>> -> memref<1x640x128xf32, #tpu.memory_space<hbm>>
      %dma_start3A_23 = tpu.memref_squeeze %dma_start3A_22 : memref<1x640x128xf32, #tpu.memory_space<hbm>> -> memref<640x128xf32, #tpu.memory_space<hbm>>
      %dma_start3A_24 = arith.constant 0 : i32
      %dma_start3A_25 = tpu.memref_slice %arg10[%mul3A_2, %dma_start3A_24] : memref<10240x128xf32, #tpu.memory_space<vmem_shared>> -> memref<640x128xf32, #tpu.memory_space<vmem_shared>>
      tpu.enqueue_dma source(%dma_start3A_25 : memref<640x128xf32, #tpu.memory_space<vmem_shared>>) target(%dma_start3A_23 : memref<640x128xf32, #tpu.memory_space<hbm>>) target_semaphore(%run_scoped3A_20 : memref<!tpu.dma_semaphore, #tpu.memory_space<semaphore_mem>>)
      %dma_wait3A_26 = arith.constant 0 : i32
      %dma_wait3A_27 = tpu.memref_slice %arg5[%arg0, %mul3A_2, %dma_wait3A_26] : memref<2x10240x128xf32, #tpu.memory_space<hbm>> -> memref<1x640x128xf32, #tpu.memory_space<hbm>>
      %dma_wait3A_28 = tpu.memref_squeeze %dma_wait3A_27 : memref<1x640x128xf32, #tpu.memory_space<hbm>> -> memref<640x128xf32, #tpu.memory_space<hbm>>
      %dma_wait3A_29 = arith.constant 0 : i32
      %dma_wait3A_30 = tpu.memref_slice %arg10[%mul3A_2, %dma_wait3A_29] : memref<10240x128xf32, #tpu.memory_space<vmem_shared>> -> memref<640x128xf32, #tpu.memory_space<vmem_shared>>
      tpu.wait_dma2 semaphore(%run_scoped3A_20 : memref<!tpu.dma_semaphore, #tpu.memory_space<semaphore_mem>>) src(%dma_wait3A_30 : memref<640x128xf32, #tpu.memory_space<vmem_shared>>) dst(%dma_wait3A_28 : memref<640x128xf32, #tpu.memory_space<hbm>>)
      tpu.yield
    }) : () -> ()
    return
  }
}

#map = affine_map<(d0, d1) -> (0, 0)>
#map1 = affine_map<(d0, d1) -> (0, 0, 0)>
module attributes {stable_mosaic.version = 14 : i64} {
  func.func @_spmm_body(%arg0: i32, %arg1: i32, %arg2: memref<10240x128xf32, #tpu.memory_space<hbm>>, %arg3: memref<32x125x80xi32, #tpu.memory_space<hbm>>, %arg4: memref<32x125x80xi32, #tpu.memory_space<hbm>>, %arg5: memref<2x10240x128xf32, #tpu.memory_space<hbm>>, %arg6: memref<125x80xi32, #tpu.memory_space<vmem>>, %arg7: memref<125x80xi32, #tpu.memory_space<vmem>>, %arg8: memref<80x128xf32, #tpu.memory_space<vmem>>, %arg9: memref<80x128xf32, #tpu.memory_space<vmem>>, %arg10: memref<10240x128xf32, #tpu.memory_space<vmem_shared>>, %arg11: memref<!tpu.dma_semaphore, #tpu.memory_space<semaphore_mem>>, %arg12: memref<!tpu.dma_semaphore, #tpu.memory_space<semaphore_mem>>) attributes {dimension_semantics = [#tpu.dimension_semantics<core_parallel>, #tpu.dimension_semantics<subcore_parallel>], iteration_bounds = array<i64: 2, 16>, scalar_prefetch = 0 : i64, scratch_operands = 7 : i64, tpu.core_type = #tpu.core_type<sc_vector_subcore>, window_params = [{transform_indices = #map}, {transform_indices = #map1}, {transform_indices = #map1}, {transform_indices = #map1}]} {
    %mul3A = arith.constant 2 : i32
    %mul3A_0 = arith.muli %arg1, %mul3A : i32
    %add3A = arith.addi %mul3A_0, %arg0 : i32
    "tpu.region"() ({
      %run_scoped3A_20 = tpu.sem_alloc : memref<!tpu.dma_semaphore, #tpu.memory_space<semaphore_mem>>
      %dma_start3A_21 = arith.constant 0 : i32
      %dma_start3A_22 = arith.constant 0 : i32
      %dma_start3A_23 = tpu.memref_slice %arg3[%add3A, %dma_start3A_21, %dma_start3A_22] : memref<32x125x80xi32, #tpu.memory_space<hbm>> -> memref<1x125x80xi32, #tpu.memory_space<hbm>>
      %dma_start3A_24 = tpu.memref_squeeze %dma_start3A_23 : memref<1x125x80xi32, #tpu.memory_space<hbm>> -> memref<125x80xi32, #tpu.memory_space<hbm>>
      %dma_start3A_25 = arith.constant 0 : i32
      %dma_start3A_26 = arith.constant 0 : i32
      %dma_start3A_27 = tpu.memref_slice %arg3[%add3A, %dma_start3A_25, %dma_start3A_26] : memref<32x125x80xi32, #tpu.memory_space<hbm>> -> memref<1x125x80xi32, #tpu.memory_space<hbm>>
      %dma_start3A_28 = tpu.memref_squeeze %dma_start3A_27 : memref<1x125x80xi32, #tpu.memory_space<hbm>> -> memref<125x80xi32, #tpu.memory_space<hbm>>
      tpu.enqueue_dma source(%dma_start3A_28 : memref<125x80xi32, #tpu.memory_space<hbm>>) target(%arg6 : memref<125x80xi32, #tpu.memory_space<vmem>>) target_semaphore(%run_scoped3A_20 : memref<!tpu.dma_semaphore, #tpu.memory_space<semaphore_mem>>)
      %dma_wait3A_29 = arith.constant 0 : i32
      %dma_wait3A_30 = arith.constant 0 : i32
      %dma_wait3A_31 = tpu.memref_slice %arg3[%add3A, %dma_wait3A_29, %dma_wait3A_30] : memref<32x125x80xi32, #tpu.memory_space<hbm>> -> memref<1x125x80xi32, #tpu.memory_space<hbm>>
      %dma_wait3A_32 = tpu.memref_squeeze %dma_wait3A_31 : memref<1x125x80xi32, #tpu.memory_space<hbm>> -> memref<125x80xi32, #tpu.memory_space<hbm>>
      %dma_wait3A_33 = arith.constant 0 : i32
      %dma_wait3A_34 = arith.constant 0 : i32
      %dma_wait3A_35 = tpu.memref_slice %arg3[%add3A, %dma_wait3A_33, %dma_wait3A_34] : memref<32x125x80xi32, #tpu.memory_space<hbm>> -> memref<1x125x80xi32, #tpu.memory_space<hbm>>
      %dma_wait3A_36 = tpu.memref_squeeze %dma_wait3A_35 : memref<1x125x80xi32, #tpu.memory_space<hbm>> -> memref<125x80xi32, #tpu.memory_space<hbm>>
      tpu.wait_dma2 semaphore(%run_scoped3A_20 : memref<!tpu.dma_semaphore, #tpu.memory_space<semaphore_mem>>) src(%dma_wait3A_36 : memref<125x80xi32, #tpu.memory_space<hbm>>) dst(%arg6 : memref<125x80xi32, #tpu.memory_space<vmem>>)
      tpu.yield
    }) : () -> ()
    "tpu.region"() ({
      %run_scoped3A_20 = tpu.sem_alloc : memref<!tpu.dma_semaphore, #tpu.memory_space<semaphore_mem>>
      %dma_start3A_21 = arith.constant 0 : i32
      %dma_start3A_22 = arith.constant 0 : i32
      %dma_start3A_23 = tpu.memref_slice %arg4[%add3A, %dma_start3A_21, %dma_start3A_22] : memref<32x125x80xi32, #tpu.memory_space<hbm>> -> memref<1x125x80xi32, #tpu.memory_space<hbm>>
      %dma_start3A_24 = tpu.memref_squeeze %dma_start3A_23 : memref<1x125x80xi32, #tpu.memory_space<hbm>> -> memref<125x80xi32, #tpu.memory_space<hbm>>
      %dma_start3A_25 = arith.constant 0 : i32
      %dma_start3A_26 = arith.constant 0 : i32
      %dma_start3A_27 = tpu.memref_slice %arg4[%add3A, %dma_start3A_25, %dma_start3A_26] : memref<32x125x80xi32, #tpu.memory_space<hbm>> -> memref<1x125x80xi32, #tpu.memory_space<hbm>>
      %dma_start3A_28 = tpu.memref_squeeze %dma_start3A_27 : memref<1x125x80xi32, #tpu.memory_space<hbm>> -> memref<125x80xi32, #tpu.memory_space<hbm>>
      tpu.enqueue_dma source(%dma_start3A_28 : memref<125x80xi32, #tpu.memory_space<hbm>>) target(%arg7 : memref<125x80xi32, #tpu.memory_space<vmem>>) target_semaphore(%run_scoped3A_20 : memref<!tpu.dma_semaphore, #tpu.memory_space<semaphore_mem>>)
      %dma_wait3A_29 = arith.constant 0 : i32
      %dma_wait3A_30 = arith.constant 0 : i32
      %dma_wait3A_31 = tpu.memref_slice %arg4[%add3A, %dma_wait3A_29, %dma_wait3A_30] : memref<32x125x80xi32, #tpu.memory_space<hbm>> -> memref<1x125x80xi32, #tpu.memory_space<hbm>>
      %dma_wait3A_32 = tpu.memref_squeeze %dma_wait3A_31 : memref<1x125x80xi32, #tpu.memory_space<hbm>> -> memref<125x80xi32, #tpu.memory_space<hbm>>
      %dma_wait3A_33 = arith.constant 0 : i32
      %dma_wait3A_34 = arith.constant 0 : i32
      %dma_wait3A_35 = tpu.memref_slice %arg4[%add3A, %dma_wait3A_33, %dma_wait3A_34] : memref<32x125x80xi32, #tpu.memory_space<hbm>> -> memref<1x125x80xi32, #tpu.memory_space<hbm>>
      %dma_wait3A_36 = tpu.memref_squeeze %dma_wait3A_35 : memref<1x125x80xi32, #tpu.memory_space<hbm>> -> memref<125x80xi32, #tpu.memory_space<hbm>>
      tpu.wait_dma2 semaphore(%run_scoped3A_20 : memref<!tpu.dma_semaphore, #tpu.memory_space<semaphore_mem>>) src(%dma_wait3A_36 : memref<125x80xi32, #tpu.memory_space<hbm>>) dst(%arg7 : memref<125x80xi32, #tpu.memory_space<vmem>>)
      tpu.yield
    }) : () -> ()
    %mul3A_1 = arith.constant 640 : i32
    %mul3A_2 = arith.muli %arg1, %mul3A_1 : i32
    "tpu.region"() ({
      %run_scoped3A_20 = tpu.sem_alloc : memref<!tpu.dma_semaphore, #tpu.memory_space<semaphore_mem>>
      %dma_start3A_21 = arith.constant 0 : i32
      %dma_start3A_22 = tpu.memref_slice %arg10[%mul3A_2, %dma_start3A_21] : memref<10240x128xf32, #tpu.memory_space<vmem_shared>> -> memref<640x128xf32, #tpu.memory_space<vmem_shared>>
      %dma_start3A_23 = arith.constant 0 : i32
      %dma_start3A_24 = tpu.memref_slice %arg2[%mul3A_2, %dma_start3A_23] : memref<10240x128xf32, #tpu.memory_space<hbm>> -> memref<640x128xf32, #tpu.memory_space<hbm>>
      tpu.enqueue_dma source(%dma_start3A_24 : memref<640x128xf32, #tpu.memory_space<hbm>>) target(%dma_start3A_22 : memref<640x128xf32, #tpu.memory_space<vmem_shared>>) target_semaphore(%run_scoped3A_20 : memref<!tpu.dma_semaphore, #tpu.memory_space<semaphore_mem>>)
      %dma_wait3A_25 = arith.constant 0 : i32
      %dma_wait3A_26 = tpu.memref_slice %arg10[%mul3A_2, %dma_wait3A_25] : memref<10240x128xf32, #tpu.memory_space<vmem_shared>> -> memref<640x128xf32, #tpu.memory_space<vmem_shared>>
      %dma_wait3A_27 = arith.constant 0 : i32
      %dma_wait3A_28 = tpu.memref_slice %arg2[%mul3A_2, %dma_wait3A_27] : memref<10240x128xf32, #tpu.memory_space<hbm>> -> memref<640x128xf32, #tpu.memory_space<hbm>>
      tpu.wait_dma2 semaphore(%run_scoped3A_20 : memref<!tpu.dma_semaphore, #tpu.memory_space<semaphore_mem>>) src(%dma_wait3A_28 : memref<640x128xf32, #tpu.memory_space<hbm>>) dst(%dma_wait3A_26 : memref<640x128xf32, #tpu.memory_space<vmem_shared>>)
      tpu.yield
    }) : () -> ()
    %barrier3A = arith.constant 0 : index
    tpu.barrier barrier_id(%barrier3A)
    %dma_start3A = arith.constant 0 : i32
    %dma_start3A_3 = arith.constant 0 : i32
    %dma_start3A_4 = tpu.memref_slice %arg6[%dma_start3A, %dma_start3A_3] : memref<125x80xi32, #tpu.memory_space<vmem>> -> memref<1x80xi32, #tpu.memory_space<vmem>>
    %dma_start3A_5 = tpu.memref_squeeze %dma_start3A_4 : memref<1x80xi32, #tpu.memory_space<vmem>> -> memref<80xi32, #tpu.memory_space<vmem>>
    %dma_start3A_6 = arith.constant 0 : i32
    %dma_start3A_7 = arith.constant 0 : i32
    %dma_start3A_8 = tpu.memref_slice %arg2[%dma_start3A_6, %dma_start3A_7] : memref<10240x128xf32, #tpu.memory_space<hbm>> -> memref<10240x128xf32, #tpu.memory_space<hbm>>
    tpu.enqueue_indirect_dma source(%dma_start3A_8 : memref<10240x128xf32, #tpu.memory_space<hbm>>) target(%arg8 : memref<80x128xf32, #tpu.memory_space<vmem>>) offsets(%dma_start3A_5 : memref<80xi32, #tpu.memory_space<vmem>>) semaphore(%arg11 : memref<!tpu.dma_semaphore, #tpu.memory_space<semaphore_mem>>)
    %scan3A = arith.constant 0 : i32
    %scan3A_9 = arith.constant 62 : i32
    %scan3A_10 = arith.addi %scan3A, %scan3A_9 : i32
    %scan3A_11 = arith.constant 1 : i32
    scf.for %scan3A_20 = %scan3A to %scan3A_10 step %scan3A_11  : i32 {
      %mul3A_21 = arith.constant 2 : i32
      %mul3A_22 = arith.muli %scan3A_20, %mul3A_21 : i32
      %add3A_23 = arith.constant 0 : i32
      %add3A_24 = arith.addi %add3A_23, %mul3A_22 : i32
      %add3A_25 = arith.constant 1 : i32
      %add3A_26 = arith.addi %add3A_24, %add3A_25 : i32
      %dma_start3A_27 = arith.constant 0 : i32
      %dma_start3A_28 = tpu.memref_slice %arg6[%add3A_26, %dma_start3A_27] : memref<125x80xi32, #tpu.memory_space<vmem>> -> memref<1x80xi32, #tpu.memory_space<vmem>>
      %dma_start3A_29 = tpu.memref_squeeze %dma_start3A_28 : memref<1x80xi32, #tpu.memory_space<vmem>> -> memref<80xi32, #tpu.memory_space<vmem>>
      %dma_start3A_30 = arith.constant 0 : i32
      %dma_start3A_31 = arith.constant 0 : i32
      %dma_start3A_32 = tpu.memref_slice %arg2[%dma_start3A_30, %dma_start3A_31] : memref<10240x128xf32, #tpu.memory_space<hbm>> -> memref<10240x128xf32, #tpu.memory_space<hbm>>
      tpu.enqueue_indirect_dma source(%dma_start3A_32 : memref<10240x128xf32, #tpu.memory_space<hbm>>) target(%arg9 : memref<80x128xf32, #tpu.memory_space<vmem>>) offsets(%dma_start3A_29 : memref<80xi32, #tpu.memory_space<vmem>>) semaphore(%arg12 : memref<!tpu.dma_semaphore, #tpu.memory_space<semaphore_mem>>)
      %dma_wait3A_33 = arith.constant 0 : i32
      %dma_wait3A_34 = tpu.memref_slice %arg6[%add3A_24, %dma_wait3A_33] : memref<125x80xi32, #tpu.memory_space<vmem>> -> memref<1x80xi32, #tpu.memory_space<vmem>>
      %dma_wait3A_35 = tpu.memref_squeeze %dma_wait3A_34 : memref<1x80xi32, #tpu.memory_space<vmem>> -> memref<80xi32, #tpu.memory_space<vmem>>
      %dma_wait3A_36 = arith.constant 0 : i32
      %dma_wait3A_37 = arith.constant 0 : i32
      %dma_wait3A_38 = tpu.memref_slice %arg2[%dma_wait3A_36, %dma_wait3A_37] : memref<10240x128xf32, #tpu.memory_space<hbm>> -> memref<10240x128xf32, #tpu.memory_space<hbm>>
      tpu.wait_indirect_dma semaphore(%arg11 : memref<!tpu.dma_semaphore, #tpu.memory_space<semaphore_mem>>) src(%dma_wait3A_38 : memref<10240x128xf32, #tpu.memory_space<hbm>>) dst(%arg8 : memref<80x128xf32, #tpu.memory_space<vmem>>)
      "tpu.region"() ({
        %run_scoped3A_57 = tpu.sem_alloc : memref<!tpu.dma_semaphore, #tpu.memory_space<semaphore_mem>>
        %dma_start3A_58 = arith.constant 0 : i32
        %dma_start3A_59 = tpu.memref_slice %arg7[%add3A_24, %dma_start3A_58] : memref<125x80xi32, #tpu.memory_space<vmem>> -> memref<1x80xi32, #tpu.memory_space<vmem>>
        %dma_start3A_60 = tpu.memref_squeeze %dma_start3A_59 : memref<1x80xi32, #tpu.memory_space<vmem>> -> memref<80xi32, #tpu.memory_space<vmem>>
        %dma_start3A_61 = arith.constant 0 : i32
        %dma_start3A_62 = arith.constant 0 : i32
        %dma_start3A_63 = tpu.memref_slice %arg10[%dma_start3A_61, %dma_start3A_62] : memref<10240x128xf32, #tpu.memory_space<vmem_shared>> -> memref<10240x128xf32, #tpu.memory_space<vmem_shared>>
        tpu.enqueue_indirect_dma source(%arg8 : memref<80x128xf32, #tpu.memory_space<vmem>>) target(%dma_start3A_63 : memref<10240x128xf32, #tpu.memory_space<vmem_shared>>) offsets(%dma_start3A_60 : memref<80xi32, #tpu.memory_space<vmem>>) semaphore(%run_scoped3A_57 : memref<!tpu.dma_semaphore, #tpu.memory_space<semaphore_mem>>) {add = true}
        %dma_wait3A_64 = arith.constant 0 : i32
        %dma_wait3A_65 = tpu.memref_slice %arg7[%add3A_24, %dma_wait3A_64] : memref<125x80xi32, #tpu.memory_space<vmem>> -> memref<1x80xi32, #tpu.memory_space<vmem>>
        %dma_wait3A_66 = tpu.memref_squeeze %dma_wait3A_65 : memref<1x80xi32, #tpu.memory_space<vmem>> -> memref<80xi32, #tpu.memory_space<vmem>>
        %dma_wait3A_67 = arith.constant 0 : i32
        %dma_wait3A_68 = arith.constant 0 : i32
        %dma_wait3A_69 = tpu.memref_slice %arg10[%dma_wait3A_67, %dma_wait3A_68] : memref<10240x128xf32, #tpu.memory_space<vmem_shared>> -> memref<10240x128xf32, #tpu.memory_space<vmem_shared>>
        tpu.wait_indirect_dma semaphore(%run_scoped3A_57 : memref<!tpu.dma_semaphore, #tpu.memory_space<semaphore_mem>>) src(%arg8 : memref<80x128xf32, #tpu.memory_space<vmem>>) dst(%dma_wait3A_69 : memref<10240x128xf32, #tpu.memory_space<vmem_shared>>)
        tpu.yield
      }) : () -> ()
      %add3A_39 = arith.constant 2 : i32
      %add3A_40 = arith.addi %add3A_24, %add3A_39 : i32
      %dma_start3A_41 = arith.constant 0 : i32
      %dma_start3A_42 = tpu.memref_slice %arg6[%add3A_40, %dma_start3A_41] : memref<125x80xi32, #tpu.memory_space<vmem>> -> memref<1x80xi32, #tpu.memory_space<vmem>>
      %dma_start3A_43 = tpu.memref_squeeze %dma_start3A_42 : memref<1x80xi32, #tpu.memory_space<vmem>> -> memref<80xi32, #tpu.memory_space<vmem>>
      %dma_start3A_44 = arith.constant 0 : i32
      %dma_start3A_45 = arith.constant 0 : i32
      %dma_start3A_46 = tpu.memref_slice %arg2[%dma_start3A_44, %dma_start3A_45] : memref<10240x128xf32, #tpu.memory_space<hbm>> -> memref<10240x128xf32, #tpu.memory_space<hbm>>
      tpu.enqueue_indirect_dma source(%dma_start3A_46 : memref<10240x128xf32, #tpu.memory_space<hbm>>) target(%arg8 : memref<80x128xf32, #tpu.memory_space<vmem>>) offsets(%dma_start3A_43 : memref<80xi32, #tpu.memory_space<vmem>>) semaphore(%arg11 : memref<!tpu.dma_semaphore, #tpu.memory_space<semaphore_mem>>)
      %add3A_47 = arith.constant 1 : i32
      %add3A_48 = arith.addi %add3A_24, %add3A_47 : i32
      %dma_wait3A_49 = arith.constant 0 : i32
      %dma_wait3A_50 = tpu.memref_slice %arg6[%add3A_48, %dma_wait3A_49] : memref<125x80xi32, #tpu.memory_space<vmem>> -> memref<1x80xi32, #tpu.memory_space<vmem>>
      %dma_wait3A_51 = tpu.memref_squeeze %dma_wait3A_50 : memref<1x80xi32, #tpu.memory_space<vmem>> -> memref<80xi32, #tpu.memory_space<vmem>>
      %dma_wait3A_52 = arith.constant 0 : i32
      %dma_wait3A_53 = arith.constant 0 : i32
      %dma_wait3A_54 = tpu.memref_slice %arg2[%dma_wait3A_52, %dma_wait3A_53] : memref<10240x128xf32, #tpu.memory_space<hbm>> -> memref<10240x128xf32, #tpu.memory_space<hbm>>
      tpu.wait_indirect_dma semaphore(%arg12 : memref<!tpu.dma_semaphore, #tpu.memory_space<semaphore_mem>>) src(%dma_wait3A_54 : memref<10240x128xf32, #tpu.memory_space<hbm>>) dst(%arg9 : memref<80x128xf32, #tpu.memory_space<vmem>>)
      %add3A_55 = arith.constant 1 : i32
      %add3A_56 = arith.addi %add3A_24, %add3A_55 : i32
      "tpu.region"() ({
        %run_scoped3A_57 = tpu.sem_alloc : memref<!tpu.dma_semaphore, #tpu.memory_space<semaphore_mem>>
        %dma_start3A_58 = arith.constant 0 : i32
        %dma_start3A_59 = tpu.memref_slice %arg7[%add3A_56, %dma_start3A_58] : memref<125x80xi32, #tpu.memory_space<vmem>> -> memref<1x80xi32, #tpu.memory_space<vmem>>
        %dma_start3A_60 = tpu.memref_squeeze %dma_start3A_59 : memref<1x80xi32, #tpu.memory_space<vmem>> -> memref<80xi32, #tpu.memory_space<vmem>>
        %dma_start3A_61 = arith.constant 0 : i32
        %dma_start3A_62 = arith.constant 0 : i32
        %dma_start3A_63 = tpu.memref_slice %arg10[%dma_start3A_61, %dma_start3A_62] : memref<10240x128xf32, #tpu.memory_space<vmem_shared>> -> memref<10240x128xf32, #tpu.memory_space<vmem_shared>>
        tpu.enqueue_indirect_dma source(%arg9 : memref<80x128xf32, #tpu.memory_space<vmem>>) target(%dma_start3A_63 : memref<10240x128xf32, #tpu.memory_space<vmem_shared>>) offsets(%dma_start3A_60 : memref<80xi32, #tpu.memory_space<vmem>>) semaphore(%run_scoped3A_57 : memref<!tpu.dma_semaphore, #tpu.memory_space<semaphore_mem>>) {add = true}
        %dma_wait3A_64 = arith.constant 0 : i32
        %dma_wait3A_65 = tpu.memref_slice %arg7[%add3A_56, %dma_wait3A_64] : memref<125x80xi32, #tpu.memory_space<vmem>> -> memref<1x80xi32, #tpu.memory_space<vmem>>
        %dma_wait3A_66 = tpu.memref_squeeze %dma_wait3A_65 : memref<1x80xi32, #tpu.memory_space<vmem>> -> memref<80xi32, #tpu.memory_space<vmem>>
        %dma_wait3A_67 = arith.constant 0 : i32
        %dma_wait3A_68 = arith.constant 0 : i32
        %dma_wait3A_69 = tpu.memref_slice %arg10[%dma_wait3A_67, %dma_wait3A_68] : memref<10240x128xf32, #tpu.memory_space<vmem_shared>> -> memref<10240x128xf32, #tpu.memory_space<vmem_shared>>
        tpu.wait_indirect_dma semaphore(%run_scoped3A_57 : memref<!tpu.dma_semaphore, #tpu.memory_space<semaphore_mem>>) src(%arg9 : memref<80x128xf32, #tpu.memory_space<vmem>>) dst(%dma_wait3A_69 : memref<10240x128xf32, #tpu.memory_space<vmem_shared>>)
        tpu.yield
      }) : () -> ()
    }
    %scan3A_12 = arith.constant 62 : i32
    %dma_wait3A = arith.constant 124 : i32
    %dma_wait3A_13 = arith.constant 0 : i32
    %dma_wait3A_14 = tpu.memref_slice %arg6[%dma_wait3A, %dma_wait3A_13] : memref<125x80xi32, #tpu.memory_space<vmem>> -> memref<1x80xi32, #tpu.memory_space<vmem>>
    %dma_wait3A_15 = tpu.memref_squeeze %dma_wait3A_14 : memref<1x80xi32, #tpu.memory_space<vmem>> -> memref<80xi32, #tpu.memory_space<vmem>>
    %dma_wait3A_16 = arith.constant 0 : i32
    %dma_wait3A_17 = arith.constant 0 : i32
    %dma_wait3A_18 = tpu.memref_slice %arg2[%dma_wait3A_16, %dma_wait3A_17] : memref<10240x128xf32, #tpu.memory_space<hbm>> -> memref<10240x128xf32, #tpu.memory_space<hbm>>
    tpu.wait_indirect_dma semaphore(%arg11 : memref<!tpu.dma_semaphore, #tpu.memory_space<semaphore_mem>>) src(%dma_wait3A_18 : memref<10240x128xf32, #tpu.memory_space<hbm>>) dst(%arg8 : memref<80x128xf32, #tpu.memory_space<vmem>>)
    %run_scoped3A = arith.constant 124 : i32
    "tpu.region"() ({
      %run_scoped3A_20 = tpu.sem_alloc : memref<!tpu.dma_semaphore, #tpu.memory_space<semaphore_mem>>
      %dma_start3A_21 = arith.constant 0 : i32
      %dma_start3A_22 = tpu.memref_slice %arg7[%run_scoped3A, %dma_start3A_21] : memref<125x80xi32, #tpu.memory_space<vmem>> -> memref<1x80xi32, #tpu.memory_space<vmem>>
      %dma_start3A_23 = tpu.memref_squeeze %dma_start3A_22 : memref<1x80xi32, #tpu.memory_space<vmem>> -> memref<80xi32, #tpu.memory_space<vmem>>
      %dma_start3A_24 = arith.constant 0 : i32
      %dma_start3A_25 = arith.constant 0 : i32
      %dma_start3A_26 = tpu.memref_slice %arg10[%dma_start3A_24, %dma_start3A_25] : memref<10240x128xf32, #tpu.memory_space<vmem_shared>> -> memref<10240x128xf32, #tpu.memory_space<vmem_shared>>
      tpu.enqueue_indirect_dma source(%arg8 : memref<80x128xf32, #tpu.memory_space<vmem>>) target(%dma_start3A_26 : memref<10240x128xf32, #tpu.memory_space<vmem_shared>>) offsets(%dma_start3A_23 : memref<80xi32, #tpu.memory_space<vmem>>) semaphore(%run_scoped3A_20 : memref<!tpu.dma_semaphore, #tpu.memory_space<semaphore_mem>>) {add = true}
      %dma_wait3A_27 = arith.constant 0 : i32
      %dma_wait3A_28 = tpu.memref_slice %arg7[%run_scoped3A, %dma_wait3A_27] : memref<125x80xi32, #tpu.memory_space<vmem>> -> memref<1x80xi32, #tpu.memory_space<vmem>>
      %dma_wait3A_29 = tpu.memref_squeeze %dma_wait3A_28 : memref<1x80xi32, #tpu.memory_space<vmem>> -> memref<80xi32, #tpu.memory_space<vmem>>
      %dma_wait3A_30 = arith.constant 0 : i32
      %dma_wait3A_31 = arith.constant 0 : i32
      %dma_wait3A_32 = tpu.memref_slice %arg10[%dma_wait3A_30, %dma_wait3A_31] : memref<10240x128xf32, #tpu.memory_space<vmem_shared>> -> memref<10240x128xf32, #tpu.memory_space<vmem_shared>>
      tpu.wait_indirect_dma semaphore(%run_scoped3A_20 : memref<!tpu.dma_semaphore, #tpu.memory_space<semaphore_mem>>) src(%arg8 : memref<80x128xf32, #tpu.memory_space<vmem>>) dst(%dma_wait3A_32 : memref<10240x128xf32, #tpu.memory_space<vmem_shared>>)
      tpu.yield
    }) : () -> ()
    %barrier3A_19 = arith.constant 0 : index
    tpu.barrier barrier_id(%barrier3A_19)
    "tpu.region"() ({
      %run_scoped3A_20 = tpu.sem_alloc : memref<!tpu.dma_semaphore, #tpu.memory_space<semaphore_mem>>
      %dma_start3A_21 = arith.constant 0 : i32
      %dma_start3A_22 = tpu.memref_slice %arg5[%arg0, %mul3A_2, %dma_start3A_21] : memref<2x10240x128xf32, #tpu.memory_space<hbm>> -> memref<1x640x128xf32, #tpu.memory_space<hbm>>
      %dma_start3A_23 = tpu.memref_squeeze %dma_start3A_22 : memref<1x640x128xf32, #tpu.memory_space<hbm>> -> memref<640x128xf32, #tpu.memory_space<hbm>>
      %dma_start3A_24 = arith.constant 0 : i32
      %dma_start3A_25 = tpu.memref_slice %arg10[%mul3A_2, %dma_start3A_24] : memref<10240x128xf32, #tpu.memory_space<vmem_shared>> -> memref<640x128xf32, #tpu.memory_space<vmem_shared>>
      tpu.enqueue_dma source(%dma_start3A_25 : memref<640x128xf32, #tpu.memory_space<vmem_shared>>) target(%dma_start3A_23 : memref<640x128xf32, #tpu.memory_space<hbm>>) target_semaphore(%run_scoped3A_20 : memref<!tpu.dma_semaphore, #tpu.memory_space<semaphore_mem>>)
      %dma_wait3A_26 = arith.constant 0 : i32
      %dma_wait3A_27 = tpu.memref_slice %arg5[%arg0, %mul3A_2, %dma_wait3A_26] : memref<2x10240x128xf32, #tpu.memory_space<hbm>> -> memref<1x640x128xf32, #tpu.memory_space<hbm>>
      %dma_wait3A_28 = tpu.memref_squeeze %dma_wait3A_27 : memref<1x640x128xf32, #tpu.memory_space<hbm>> -> memref<640x128xf32, #tpu.memory_space<hbm>>
      %dma_wait3A_29 = arith.constant 0 : i32
      %dma_wait3A_30 = tpu.memref_slice %arg10[%mul3A_2, %dma_wait3A_29] : memref<10240x128xf32, #tpu.memory_space<vmem_shared>> -> memref<640x128xf32, #tpu.memory_space<vmem_shared>>
      tpu.wait_dma2 semaphore(%run_scoped3A_20 : memref<!tpu.dma_semaphore, #tpu.memory_space<semaphore_mem>>) src(%dma_wait3A_30 : memref<640x128xf32, #tpu.memory_space<vmem_shared>>) dst(%dma_wait3A_28 : memref<640x128xf32, #tpu.memory_space<hbm>>)
      tpu.yield
    }) : () -> ()
    return
  }
}

module attributes {stable_mosaic.version = 14 : i64} {
  func.func @_prologue_body(%arg0: memref<10000x128xf32, #tpu.memory_space<vmem>>, %arg1: memref<10000x60xf32, #tpu.memory_space<vmem>>, %arg2: memref<10000x59xf32, #tpu.memory_space<vmem>>, %arg3: memref<60x8xf32, #tpu.memory_space<vmem>>, %arg4: memref<59x8xf32, #tpu.memory_space<vmem>>, %arg5: memref<8xf32, #tpu.memory_space<vmem>>, %arg6: memref<128x128xf32, #tpu.memory_space<vmem>>, %arg7: memref<8x128xf32, #tpu.memory_space<vmem>>, %arg8: memref<128xf32, #tpu.memory_space<vmem>>, %arg9: memref<2x10240x16xf32, #tpu.memory_space<vmem>>, %arg10: memref<10240x128xf32, #tpu.memory_space<vmem>>, %arg11: memref<10240x1xf32, #tpu.memory_space<vmem>>, %arg12: memref<10240x1xf32, #tpu.memory_space<vmem>>) attributes {dimension_semantics = [], scalar_prefetch = 0 : i64, scratch_operands = 0 : i64, tpu.core_type = #tpu.core_type<tc>} {
    %get3A = arith.constant 0 : index
    %get3A_0 = arith.constant 0 : index
    %get3A_1 = vector.load %arg1[%get3A, %get3A_0] : memref<10000x60xf32, #tpu.memory_space<vmem>>, vector<10000x60xf32>
    %get3A_2 = arith.constant 0 : index
    %get3A_3 = arith.constant 0 : index
    %get3A_4 = vector.load %arg3[%get3A_2, %get3A_3] : memref<60x8xf32, #tpu.memory_space<vmem>>, vector<60x8xf32>
    %dot_general3A = arith.constant dense<0.000000e+00> : vector<10000x8xf32>
    %dot_general3A_5 = tpu.matmul %get3A_1, %get3A_4, %dot_general3A {dimension_numbers = #tpu.dot_dimension_numbers<[1], [0], [0], [1], [0, 0, 1, 1], [], []>, transpose_lhs_hint = false} : vector<10000x60xf32>, vector<60x8xf32>, vector<10000x8xf32> -> vector<10000x8xf32>
    %get3A_6 = arith.constant 0 : index
    %get3A_7 = arith.constant 0 : index
    %get3A_8 = vector.load %arg2[%get3A_6, %get3A_7] : memref<10000x59xf32, #tpu.memory_space<vmem>>, vector<10000x59xf32>
    %get3A_9 = arith.constant 0 : index
    %get3A_10 = arith.constant 0 : index
    %get3A_11 = vector.load %arg4[%get3A_9, %get3A_10] : memref<59x8xf32, #tpu.memory_space<vmem>>, vector<59x8xf32>
    %dot_general3A_12 = arith.constant dense<0.000000e+00> : vector<10000x8xf32>
    %dot_general3A_13 = tpu.matmul %get3A_8, %get3A_11, %dot_general3A_12 {dimension_numbers = #tpu.dot_dimension_numbers<[1], [0], [0], [1], [0, 0, 1, 1], [], []>, transpose_lhs_hint = false} : vector<10000x59xf32>, vector<59x8xf32>, vector<10000x8xf32> -> vector<10000x8xf32>
    %add3A = arith.addf %dot_general3A_5, %dot_general3A_13 : vector<10000x8xf32>
    %get3A_14 = arith.constant 0 : index
    %get3A_15 = vector.load %arg5[%get3A_14] : memref<8xf32, #tpu.memory_space<vmem>>, vector<8xf32>
    %broadcast_in_dim3A = vector.shape_cast %get3A_15 : vector<8xf32> to vector<1x8xf32>
    %add3A_16 = vector.broadcast %broadcast_in_dim3A : vector<1x8xf32> to vector<10000x8xf32>
    %add3A_17 = arith.addf %add3A, %add3A_16 : vector<10000x8xf32>
    %get3A_18 = arith.constant 0 : index
    %get3A_19 = arith.constant 0 : index
    %get3A_20 = vector.load %arg0[%get3A_18, %get3A_19] : memref<10000x128xf32, #tpu.memory_space<vmem>>, vector<10000x128xf32>
    %get3A_21 = arith.constant 0 : index
    %get3A_22 = arith.constant 0 : index
    %get3A_23 = vector.load %arg6[%get3A_21, %get3A_22] : memref<128x128xf32, #tpu.memory_space<vmem>>, vector<128x128xf32>
    %dot_general3A_24 = arith.constant dense<0.000000e+00> : vector<10000x128xf32>
    %dot_general3A_25 = tpu.matmul %get3A_20, %get3A_23, %dot_general3A_24 {dimension_numbers = #tpu.dot_dimension_numbers<[1], [0], [0], [1], [0, 0, 1, 1], [], []>, transpose_lhs_hint = false} : vector<10000x128xf32>, vector<128x128xf32>, vector<10000x128xf32> -> vector<10000x128xf32>
    %get3A_26 = arith.constant 0 : index
    %get3A_27 = arith.constant 0 : index
    %get3A_28 = vector.load %arg7[%get3A_26, %get3A_27] : memref<8x128xf32, #tpu.memory_space<vmem>>, vector<8x128xf32>
    %dot_general3A_29 = arith.constant dense<0.000000e+00> : vector<10000x128xf32>
    %dot_general3A_30 = tpu.matmul %add3A_17, %get3A_28, %dot_general3A_29 {dimension_numbers = #tpu.dot_dimension_numbers<[1], [0], [0], [1], [0, 0, 1, 1], [], []>, transpose_lhs_hint = false} : vector<10000x8xf32>, vector<8x128xf32>, vector<10000x128xf32> -> vector<10000x128xf32>
    %add3A_31 = arith.addf %dot_general3A_25, %dot_general3A_30 : vector<10000x128xf32>
    %get3A_32 = arith.constant 0 : index
    %get3A_33 = vector.load %arg8[%get3A_32] : memref<128xf32, #tpu.memory_space<vmem>>, vector<128xf32>
    %broadcast_in_dim3A_34 = vector.shape_cast %get3A_33 : vector<128xf32> to vector<1x128xf32>
    %add3A_35 = vector.broadcast %broadcast_in_dim3A_34 : vector<1x128xf32> to vector<10000x128xf32>
    %add3A_36 = arith.addf %add3A_31, %add3A_35 : vector<10000x128xf32>
    %get3A_37 = arith.constant 0 : index
    %get3A_38 = arith.constant 0 : index
    %get3A_39 = arith.constant 0 : index
    %get3A_40 = vector.load %arg9[%get3A_37, %get3A_38, %get3A_39] : memref<2x10240x16xf32, #tpu.memory_space<vmem>>, vector<1x10240x16xf32>
    %get3A_41 = vector.shape_cast %get3A_40 : vector<1x10240x16xf32> to vector<10240x16xf32>
    %get3A_42 = arith.constant 1 : index
    %get3A_43 = arith.constant 0 : index
    %get3A_44 = arith.constant 0 : index
    %get3A_45 = vector.load %arg9[%get3A_42, %get3A_43, %get3A_44] : memref<2x10240x16xf32, #tpu.memory_space<vmem>>, vector<1x10240x16xf32>
    %get3A_46 = vector.shape_cast %get3A_45 : vector<1x10240x16xf32> to vector<10240x16xf32>
    %add3A_47 = arith.addf %get3A_41, %get3A_46 : vector<10240x16xf32>
    %slice3A = vector.extract_strided_slice %add3A_47 {offsets = [0, 0], sizes = [10000, 1], strides = [1, 1]} : vector<10240x16xf32> to vector<10000x1xf32>
    %add3A_48 = arith.constant 1.000000e+00 : f32
    %add3A_49 = vector.broadcast %add3A_48 : f32 to vector<10000x1xf32>
    %add3A_50 = arith.addf %add3A_49, %slice3A : vector<10000x1xf32>
    %rsqrt3A = math.rsqrt %add3A_50 : vector<10000x1xf32>
    %swap3A = arith.constant 0 : index
    %swap3A_51 = arith.constant 0 : index
    %swap3A_52 = vector.load %arg11[%swap3A, %swap3A_51] : memref<10240x1xf32, #tpu.memory_space<vmem>>, vector<10000x1xf32>
    tpu.vector_store %arg11[%swap3A, %swap3A_51], %rsqrt3A {strides = array<i32>} : memref<10240x1xf32, #tpu.memory_space<vmem>>, vector<10000x1xf32>,
    %broadcast_in_dim3A_53 = arith.constant 0.000000e+00 : f32
    %broadcast_in_dim3A_54 = vector.broadcast %broadcast_in_dim3A_53 : f32 to vector<240x1xf32>
    %swap3A_55 = arith.constant 10000 : index
    %swap3A_56 = arith.constant 0 : index
    %swap3A_57 = vector.load %arg11[%swap3A_55, %swap3A_56] : memref<10240x1xf32, #tpu.memory_space<vmem>>, vector<240x1xf32>
    tpu.vector_store %arg11[%swap3A_55, %swap3A_56], %broadcast_in_dim3A_54 {strides = array<i32>} : memref<10240x1xf32, #tpu.memory_space<vmem>>, vector<240x1xf32>,
    %mul3A = arith.mulf %rsqrt3A, %rsqrt3A : vector<10000x1xf32>
    %swap3A_58 = arith.constant 0 : index
    %swap3A_59 = arith.constant 0 : index
    %swap3A_60 = vector.load %arg12[%swap3A_58, %swap3A_59] : memref<10240x1xf32, #tpu.memory_space<vmem>>, vector<10000x1xf32>
    tpu.vector_store %arg12[%swap3A_58, %swap3A_59], %mul3A {strides = array<i32>} : memref<10240x1xf32, #tpu.memory_space<vmem>>, vector<10000x1xf32>,
    %broadcast_in_dim3A_61 = arith.constant 0.000000e+00 : f32
    %broadcast_in_dim3A_62 = vector.broadcast %broadcast_in_dim3A_61 : f32 to vector<240x1xf32>
    %swap3A_63 = arith.constant 10000 : index
    %swap3A_64 = arith.constant 0 : index
    %swap3A_65 = vector.load %arg12[%swap3A_63, %swap3A_64] : memref<10240x1xf32, #tpu.memory_space<vmem>>, vector<240x1xf32>
    tpu.vector_store %arg12[%swap3A_63, %swap3A_64], %broadcast_in_dim3A_62 {strides = array<i32>} : memref<10240x1xf32, #tpu.memory_space<vmem>>, vector<240x1xf32>,
    %mul3A_66 = vector.broadcast %rsqrt3A : vector<10000x1xf32> to vector<10000x128xf32>
    %mul3A_67 = arith.mulf %add3A_36, %mul3A_66 : vector<10000x128xf32>
    %swap3A_68 = arith.constant 0 : index
    %swap3A_69 = arith.constant 0 : index
    %swap3A_70 = vector.load %arg10[%swap3A_68, %swap3A_69] : memref<10240x128xf32, #tpu.memory_space<vmem>>, vector<10000x128xf32>
    tpu.vector_store %arg10[%swap3A_68, %swap3A_69], %mul3A_67 {strides = array<i32>} : memref<10240x128xf32, #tpu.memory_space<vmem>>, vector<10000x128xf32>,
    %broadcast_in_dim3A_71 = arith.constant 0.000000e+00 : f32
    %broadcast_in_dim3A_72 = vector.broadcast %broadcast_in_dim3A_71 : f32 to vector<240x128xf32>
    %swap3A_73 = arith.constant 10000 : index
    %swap3A_74 = arith.constant 0 : index
    %swap3A_75 = vector.load %arg10[%swap3A_73, %swap3A_74] : memref<10240x128xf32, #tpu.memory_space<vmem>>, vector<240x128xf32>
    tpu.vector_store %arg10[%swap3A_73, %swap3A_74], %broadcast_in_dim3A_72 {strides = array<i32>} : memref<10240x128xf32, #tpu.memory_space<vmem>>, vector<240x128xf32>,
    return
  }
}

module attributes {stable_mosaic.version = 14 : i64} {
  func.func @_combine_body(%arg0: memref<2x10240x128xf32, #tpu.memory_space<vmem>>, %arg1: memref<10240x128xf32, #tpu.memory_space<vmem>>, %arg2: memref<10240x1xf32, #tpu.memory_space<vmem>>, %arg3: memref<10240x128xf32, #tpu.memory_space<vmem>>) attributes {dimension_semantics = [], scalar_prefetch = 0 : i64, scratch_operands = 0 : i64, tpu.core_type = #tpu.core_type<tc>} {
    %get3A = arith.constant 0 : index
    %get3A_0 = arith.constant 0 : index
    %get3A_1 = vector.load %arg2[%get3A, %get3A_0] : memref<10240x1xf32, #tpu.memory_space<vmem>>, vector<10240x1xf32>
    %get3A_2 = arith.constant 0 : index
    %get3A_3 = arith.constant 0 : index
    %get3A_4 = arith.constant 0 : index
    %get3A_5 = vector.load %arg0[%get3A_2, %get3A_3, %get3A_4] : memref<2x10240x128xf32, #tpu.memory_space<vmem>>, vector<1x10240x128xf32>
    %get3A_6 = vector.shape_cast %get3A_5 : vector<1x10240x128xf32> to vector<10240x128xf32>
    %get3A_7 = arith.constant 1 : index
    %get3A_8 = arith.constant 0 : index
    %get3A_9 = arith.constant 0 : index
    %get3A_10 = vector.load %arg0[%get3A_7, %get3A_8, %get3A_9] : memref<2x10240x128xf32, #tpu.memory_space<vmem>>, vector<1x10240x128xf32>
    %get3A_11 = vector.shape_cast %get3A_10 : vector<1x10240x128xf32> to vector<10240x128xf32>
    %add3A = arith.addf %get3A_6, %get3A_11 : vector<10240x128xf32>
    %get3A_12 = arith.constant 0 : index
    %get3A_13 = arith.constant 0 : index
    %get3A_14 = vector.load %arg1[%get3A_12, %get3A_13] : memref<10240x128xf32, #tpu.memory_space<vmem>>, vector<10240x128xf32>
    %sub3A = arith.subf %add3A, %get3A_14 : vector<10240x128xf32>
    %mul3A = vector.broadcast %get3A_1 : vector<10240x1xf32> to vector<10240x128xf32>
    %mul3A_15 = arith.mulf %mul3A, %sub3A : vector<10240x128xf32>
    %swap3A = arith.constant 0 : index
    %swap3A_16 = arith.constant 0 : index
    %swap3A_17 = vector.load %arg3[%swap3A, %swap3A_16] : memref<10240x128xf32, #tpu.memory_space<vmem>>, vector<10240x128xf32>
    tpu.vector_store %arg3[%swap3A, %swap3A_16], %mul3A_15 {strides = array<i32>} : memref<10240x128xf32, #tpu.memory_space<vmem>>, vector<10240x128xf32>,
    return
  }
}

</mosaic_0001>

<sc_bundles>
// kernel: kernel.10.cloned.1.call-start
scs
__scs_entry_jumppad:
0x0: {  	(pc) =	sbr.rel $0x88, $3  }
0x1: {  	(tag) =	ssettag $0x0;
	lr =	simm.s32 $0x1  }
0x2: {  	[smem:$0x3F99] =	sst lr;
	_ =	strace $0xD0000000  }
0x3: {  	_ = 	snop  }
0x4: {  	_ = 	snop  }
0x5: {  	_ = 	snop  }
0x6: {  	_ = 	snop  }
0x7: {  	_ = 	snop  }
__scs_overlays_trampoline_lowered:
0x8: {  	[smem:$0x3FA8] =	sst s0  }
0x9: {  	[smem:$0x3FA9] =	sst s1  }
0xa: {  	[smem:$0x3FAA] =	sst s2  }
0xb: {  	[smem:$0x3FAB] =	sst s3  }
0xc: {  	[smem:$0x3FAC] =	sst s4  }
0xd: {  	[smem:$0x3FAD] =	sst s5  }
0xe: {  	[smem:$0x3FAE] =	sst s6  }
0xf: {  	[smem:$0x3FAF] =	sst s7  }
0x10: {  	[smem:$0x3FB0] =	sst s8  }
0x11: {  	[smem:$0x3FB1] =	sst s9;
	s0 =	simm.s32 @!p0 $0x0  }
0x12: {  	s1 =	sld [smem:$0x3F97];
	s0 =	simm.s32 @p0 $0x1  }
0x13: {  	[smem:$0x3FB2] =	sst s0;
	s0 =	simm.s32 @!p1 $0x0  }
0x14: {  	s2 =	sld [smem:$0x3F96];
	s0 =	simm.s32 @p1 $0x1  }
0x15: {  	[smem:$0x3FB3] =	sst s0;
	s0 =	simm.s32 @!p2 $0x0  }
0x16: {  	s3 =	sld [smem:$0x3FDB];
	s0 =	simm.s32 @p2 $0x1  }
0x17: {  	s4 =	simm.s32 $0x1BF5;
	[smem:$0x3FB5] =	sst s0  }
0x18: {  	s0 =	sld [smem:$0x3F98];
	_ =	swait.ge [sflag:s4], $0x0  }
0x19: {  	s7 =	sld [smem:$0x3F99]  }
0x1a: {  	s8 =	sadd.s32 $0xFFFFE003, lr  }
0x1b: {  	s9 =	sadd.s32 $0xFFFFFEF7, lr;
	s5 =	simm.s32 $0xFFFFFFFF;
	p2 =	slt.u32 s8, $0xFFFFF086  }
0x1c: {  	p1 =	slt.u32 s9, $0xF7A;
	s5 =	simm.s32 @!p2 $0x0  }
0x1d: {  	s5 =	simm.s32 @p1 $0x1;
	p0 =	seq.s32 s7, s2  }
0x1e: {  	s7 =	smul.u32 @!p0 $0xF7A, s2;
	p2 =	seq.s32 @!p0 s5, $0x0  }
0x1f: {  	s9 =	smul.u32 $0xF7A, s1;
	s8 =	simm.s32 @!p0 $0x1BF5;
	p2 =	por !p2, p0  }
0x20: {  	[sflag:s8] =	ssyncset.s32 @!p0 $0xFFFFF086;
	s6 =	sadd.s32 @!p0 s3, s7;
	s7 =	simm.s32 @!p0 $0x108  }
0x21: {  	s3 =	sadd.s32 s3, s9;
	s6 =	sadd.s32 @!p0 $0x88, s6;
	s7 =	simm.s32 @p2 $0x1082  }
0x22: {  	[simem:s7], [sflag:s8] =	dma.local @!p0 [hbm:s6], $0xF7A  }
0x23: {  	s9 =	sor.u32 $0xD0000000, s2;
	s6 =	simm.s32 $0x108;
	_ =	swait.ge @!p0 [sflag:s8], $0x0  }
0x24: {  	s3 =	sadd.s32 $0x88, s3;
	s6 =	simm.s32 @!p1 $0x1082;
	[sflag:s4] =	ssyncset.s32 $0xFFFFF086  }
0x25: {  	[simem:s6], [sflag:s4] =	dma.local [hbm:s3], $0xF7A  }
0x26: {  	[smem:$0x3F99] =	sst s1;
	(tag) =	ssettag s2;
	_ =	strace s9  }
0x27: {  	s1 =	sld [smem:$0x3FA9]  }
0x28: {  	s2 =	sld [smem:$0x3FAA]  }
0x29: {  	s4 =	sld [smem:$0x3FAC]  }
0x2a: {  	p0 =	seq.s32 s5, $0x0;
	s5 =	sld [smem:$0x3FAD]  }
0x2b: {  	s6 =	sld [smem:$0x3FAE]  }
0x2c: {  	s7 =	sld [smem:$0x3FAF]  }
0x2d: {  	s3 =	simm.s32 $0x108;
	s8 =	sld [smem:$0x3FB0]  }
0x2e: {  	s3 =	simm.s32 @!p0 $0x1082;
	s9 =	sld [smem:$0x3FB1]  }
0x2f: {  	lr =	sadd.s32 s0, s3;
	s0 =	sld [smem:$0x3FA8]  }
0x30: {  	s3 =	sld [smem:$0x3FAB]  }
0x31: {  	[smem:$0x3FB4] =	sst s10  }
0x32: {  	s10 =	sld [smem:$0x3FB2];
	_ =	sdelay $0x3  }
0x33: {  	p0 =	seq.s32 s10, $0x1;
	s10 =	sld [smem:$0x3FB4];
	_ =	sdelay $0x3  }
0x34: {  	[smem:$0x3FB4] =	sst s10  }
0x35: {  	s10 =	sld [smem:$0x3FB3];
	_ =	sdelay $0x3  }
0x36: {  	p1 =	seq.s32 s10, $0x1;
	s10 =	sld [smem:$0x3FB4];
	_ =	sdelay $0x3  }
0x37: {  	[smem:$0x3FB4] =	sst s10  }
0x38: {  	s10 =	sld [smem:$0x3FB5]  }
0x39: {  	_ = 	snop;
	(pc) =	sbr.ind lr, $3  }
0x3a: {  	_ = 	snop  }
0x3b: {  	_ = 	snop  }
0x3c: {  	p2 =	seq.s32 s10, $0x1;
	s10 =	sld [smem:$0x3FB4]  }
0x3d: {  	_ =	shalt  }
0x3e: {  	_ =	shalt  }
0x3f: {  	_ =	shalt  }
0x40: {  	_ =	shalt  }
0x41: {  	_ =	shalt  }
0x42: {  	_ =	shalt  }
0x43: {  	_ =	shalt  }
0x44: {  	_ =	shalt  }
0x45: {  	_ =	shalt  }
0x46: {  	_ =	shalt  }
0x47: {  	_ =	shalt  }
0x48: {  	_ =	shalt  }
0x49: {  	_ =	shalt  }
0x4a: {  	_ =	shalt  }
0x4b: {  	_ =	shalt  }
0x4c: {  	_ =	shalt  }
0x4d: {  	_ =	shalt  }
0x4e: {  	_ =	shalt  }
0x4f: {  	_ =	shalt  }
0x50: {  	_ =	shalt  }
0x51: {  	_ =	shalt  }
0x52: {  	_ =	shalt  }
0x53: {  	_ =	shalt  }
0x54: {  	_ =	shalt  }
0x55: {  	_ =	shalt  }
0x56: {  	_ =	shalt  }
0x57: {  	_ =	shalt  }
0x58: {  	_ =	shalt  }
0x59: {  	_ =	shalt  }
0x5a: {  	_ =	shalt  }
0x5b: {  	_ =	shalt  }
0x5c: {  	_ =	shalt  }
0x5d: {  	_ =	shalt  }
0x5e: {  	_ =	shalt  }
0x5f: {  	_ =	shalt  }
0x60: {  	_ =	shalt  }
0x61: {  	_ =	shalt  }
0x62: {  	_ =	shalt  }
0x63: {  	_ =	shalt  }
0x64: {  	_ =	shalt  }
0x65: {  	_ =	shalt  }
0x66: {  	_ =	shalt  }
0x67: {  	_ =	shalt  }
0x68: {  	_ =	shalt  }
0x69: {  	_ =	shalt  }
0x6a: {  	_ =	shalt  }
0x6b: {  	_ =	shalt  }
0x6c: {  	_ =	shalt  }
0x6d: {  	_ =	shalt  }
0x6e: {  	_ =	shalt  }
0x6f: {  	_ =	shalt  }
0x70: {  	_ =	shalt  }
0x71: {  	_ =	shalt  }
0x72: {  	_ =	shalt  }
0x73: {  	_ =	shalt  }
0x74: {  	_ =	shalt  }
0x75: {  	_ =	shalt  }
0x76: {  	_ =	shalt  }
0x77: {  	_ =	shalt  }
0x78: {  	_ =	shalt  }
0x79: {  	_ =	shalt  }
0x7a: {  	_ =	shalt  }
0x7b: {  	_ =	shalt  }
0x7c: {  	_ =	shalt  }
0x7d: {  	_ =	shalt  }
0x7e: {  	_ =	shalt  }
0x7f: {  	_ =	shalt  }
0x80: {  	_ =	shalt  }
0x81: {  	_ =	shalt  }
0x82: {  	_ =	shalt  }
0x83: {  	_ =	shalt  }
0x84: {  	_ =	shalt  }
0x85: {  	_ =	shalt  }
0x86: {  	_ =	shalt  }
0x87: {  	_ =	shalt  }
.Lfunc_end0:
.L_simem_size_0:
called_computation_lowered:
.L_overlay_start_0:
0x88: {  	s2 =	sld [smem:$0x3FD9]  }
0x89: {  	s3 =	sld [smem:$0x3FFE];
	_ =	sdelay $0x1  }
0x8a: {  	s1 =	srdreg.scid  }
0x8b: {  	s0 =	sand.u32 $0x1, s1  }
0x8c: {  	s17 =	sshll.u32 s0, $0xA;
	s2 =	sadd.s32 s3, s2  }
0x8d: {  	s2 =	sadd.s32 s2, s17  }
0x8e: {  	[smem:$0x3FC0] =	sst s2  }
0x8f: {  	_ = 	snop  }
0x90: {  	s2 =	sld [smem:$0x3FD0];
	(tm) =	ssettm $0x1  }
0x91: {  	s18 =	sld [smem:$0x3FFB];
	_ =	sdelay $0x3  }
0x92: {  	_ =	strace s18  }
0x93: {  	s3 =	sld [smem:$0x3FFC];
	_ =	sdelay $0x3  }
0x94: {  	_ =	strace s3  }
0x95: {  	s3 =	sld [smem:$0x3FFD];
	_ =	sdelay $0x3  }
0x96: {  	_ =	strace s3  }
0x97: {  	_ =	strace $0x8FFFFFFF  }
0x98: {  	s19 =	sld [smem:$0x3FDB];
	_ =	sdelay $0x1  }
0x99: {  	s4 =	simm.s32 $_scs_section_size  }
0x9a: {  	s5 =	simm.s32 $_size__tile_overlayer_lowered;
	s6 =	simm.s32 $_tile_overlayer_lowered  }
0x9b: {  	s22 =	simm.s32 $0x1BFF;
	s21 =	sshll.u32 s6, $0x1;
	s3 =	sadd.s32 s4, s19  }
0x9c: {  	s7 =	simm.s32 $0x0;
	s20 =	sshll.u32 s5, $0x1;
	s5 =	sadd.s32 s21, s3  }
0x9d: {  	[timem:s7], [sflag:s22] =	dma.local [hbm:s5], s20  }
0x9e: {  	_ =	swait.ge [sflag:s22], s20  }
0x9f: {  	s4 =	ssub.s32 $0x0, s20;
	[sflag:s22] =	ssyncset.done $0x0  }
0xa0: {  	[sflag:s22] =	ssyncadd.s32 s4;
	_ =	sdelay $0x1  }
0xa1: {  	s23 =	simm.s32 $0x1B8B  }
0xa2: {  	_ =	swait.ge [sflag:s23], $0x1  }
0xa3: {  	[sflag:s23] =	ssyncset.done $0x0  }
0xa4: {  	s25 =	simm.s32 $0x1B8E;
	s24 =	sld [smem:$0x3FFE];
	[sflag:s23] =	ssyncadd.s32 $0xFFFFFFFF  }
0xa5: {  	s26 =	simm.s32 $execute0_lowered;
	[smem:$0x3FD2] =	sst s25  }
0xa6: {  	s5 =	sshll.u32 s26, $0x1;
	_ =	strace $0x80000046;
	[dreg:$0x1] =	wrdreg $0xFFFFFFFF  }
0xa7: {  	s28 =	simm.s32 $_size_execute0_lowered;
	s3 =	sadd.s32 s3, s5;
	[dreg:$0x0] =	wrdreg $0x0  }
0xa8: {  	s5 =	sshll.u32 s28, $0x1;
	[dreg:$0x2] =	wrdreg s3  }
0xa9: {  	[dreg:$0x3] =	wrdreg s5  }
0xaa: {  	[dreg:$0x4] =	wrdreg $0xC0  }
0xab: {  	_ =	task [dreg:s7], $0x5FFFF  }
0xac: {  	[dreg:$0x1] =	wrdreg $0xFFFFFFFF  }
0xad: {  	[dreg:$0x0] =	wrdreg $0x60  }
0xae: {  	[dreg:$0x2] =	wrdreg s24  }
0xaf: {  	[dreg:$0x3] =	wrdreg s2  }
0xb0: {  	[dreg:$0x4] =	wrdreg $0x2C100  }
0xb1: {  	[dreg:$0x5] =	wrdreg $0x9  }
0xb2: {  	_ =	task.clear_ibuf [dreg:s7], $0x6FFFF;
	_ =	strace $0x90000046  }
0xb3: {  	s29 =	simm.s32 $0x9;
	_ =	strace $0x80000048  }
0xb4: {  	_ =	swait.ge [sflag:s29], $0x1  }
0xb5: {  	[sflag:s29] =	ssyncadd.s32 $0xFFFFFFFF  }
0xb6: {  	_ =	strace $0x90000048  }
0xb7: {  	_ =	sfence  }
0xb8: {  	s30 =	sld [smem:$0x0];
	_ =	sdelay $0x2  }
0xb9: {  	s31 =	sshll.u32 s1, $0xD;
	s1 =	sshrl.u32 s1, $0x2  }
0xba: {  	s3 =	sand.u32 $0x4000, s31;
	s1 =	sadd.s32 s1, s30  }
0xbb: {  	s0 =	sor.u32 s3, s0;
	s1 =	sshll.u32 s1, $0x11  }
0xbc: {  	s0 =	sor.u32 s1, s0  }
0xbd: {  	s0 =	sadd.s32 $0x8F2B, s0  }
0xbe: {  	[sflag:s0] =	ssyncadd.remote.s32 $0x1  }
0xbf: {  	_ =	sfence.sel $0xFFFF  }
0xc0: {  	[dreg:$0x0] =	wrdreg $0xFFFFFFFF;
	(pc) =	sbr.abs _section_cstart, $3  }
0xc1: {  	[dreg:$0x1] =	wrdreg $0xFFFFFFFF  }
0xc2: {  	_ =	task.clear_ibuf [dreg:s7], $0x2FFFF;
	_ =	strace $0x9FFFFFFF  }
0xc3: {  	(tm) =	ssettm $0x7FFFFFFF  }
tec
execute0_lowered:
.L_overlay_start_1:
0x0: {  	(tag) =	ssettag $0x1  }
0x1: {  	s4 =	rddreg [dreg:$0x0]  }
0x2: {  	s1 =	srdreg.scid;
	s7 =	rddreg [dreg:$0x1]  }
0x3: {  	s0 =	stileid.u32;
	s2 =	rddreg [dreg:$0x2];
	s3 =	simm.s32 $0x0  }
0x4: {  	s13 =	simm.s32 $0x50;
	s5 =	sand.u32 $0x1, s1;
	s1 =	rddreg [dreg:$0x3]  }
0x5: {  	s14 =	simm.s32 $0x0;
	s28 =	sshll.u32 s0, $0x1;
	[smem:$0x7FF] =	sst s3  }
0x6: {  	s8 =	smul.u32 $0x2800, s0;
	s31 =	sshll.u32 s0, $0x6;
	s6 =	sor.u32 s5, s28  }
0x7: {  	_ =	strace $0x80000047;
	s10 =	ssub.s32 $0x2, s5;
	s11 =	smul.u32 $0x28000, s5  }
0x8: {  	s6 =	smul.u32 $0x4E2, s6;
	s9 =	sshrl.u32 s8, $0x3;
	s29 =	sshrl.u32 s10, $0x1  }
0x9: {  	s12 =	sadd.s32 s8, s2;
	s9 =	sadd.s32 s9, s4;
	s10 =	ssub.s32 s10, s29  }
0xa: {  	s11 =	sadd.s32 s8, s11;
	s12 =	sshrl.u32 s12, $0x3;
	s6 =	sadd.s32 s6, s4  }
0xb: {  	s4 =	sadd.s32 $0x17000, s4;
	s30 =	sshrl.u32 s11, $0x3;
	s8 =	smax.u32 s10, $0x1  }
0xc: {  	s10 =	simm.s32 $0x2710;
	s11 =	sor.u32 $0x1C01, s31;
	s5 =	sadd.s32 $0xD200, s6  }
0xd: {  	s6 =	sadd.s32 $0x17200, s9;
	s7 =	sadd.s32 s7, s30;
	s9 =	simm.s32 $0x1  }
.LBB2_1:
0xe: {  	[tilespmem:s3], [sflag:$0x1] =	stream.linear.gather [hbm4b:s5+s3], $0x2710, $0x38;
	[tilespmem:$0x5410] =	vst v63  }
0xf: {  	_ =	swait.ge [sflag:s9], $0x2710  }
0x10: {  	[sflag:s9] =	ssyncset.done $0x0  }
0x11: {  	[sflag:s9] =	ssyncadd.s32 $0xFFFFD8F0  }
0x12: {  	[tilespmem:s10], [sflag:$0x1] =	stream.linear.gather [hbm4b:s4+s3], $0x500, $0x38;
	[tilespmem:$0x5410] =	vst v63  }
0x13: {  	_ =	swait.ge [sflag:s9], $0x500  }
0x14: {  	[sflag:s9] =	ssyncset.done $0x0  }
0x15: {  	[sflag:s9] =	ssyncadd.s32 $0xFFFFFB00  }
0x16: {  	[spmem:s12], [sflag:s11] =	dma.local [hbm:s6], $0x500  }
0x17: {  	_ =	swait.ge [sflag:s9], $0x500  }
0x18: {  	[sflag:s9] =	ssyncset.done $0x0  }
0x19: {  	[sflag:s9] =	ssyncadd.s32 $0xFFFFFB00  }
0x1a: {  	s15 =	simm.s32 $0x0;
	[bflag:$0x0] =	sbarrier.arrive $0xFFFF  }
0x1b: {  	[spmem:s2] =	stream.indirect.scatter.add.f32 [tilespmem:s10], [sflag:$0x1], $0x10, s15, s13, $0xb8;
	[tilespmem:$0x5410] =	vst v63  }
0x1c: {  	_ =	swait.ge [sflag:s9], $0x500  }
0x1d: {  	s15 =	simm.s32 $0x140;
	[sflag:s9] =	ssyncset.done $0x0  }
.LBB2_2:
0x1e: {  	s16 =	sshra.s32 s15, $0x2;
	[sflag:s9] =	ssyncadd.s32 $0xFFFFFB00;
	p0 =	sne.s32 s15, $0x9B00  }
0x1f: {  	[spmem:s2] =	stream.indirect.scatter.add.f32 [tilespmem:s10], [sflag:$0x1], $0x10, s16, s13, $0xb8;
	[tilespmem:$0x5410] =	vst v63  }
.Ltmp0:
0x20: {  	_ = 	snop;
	(pc) =	sbr.rel @p0 .LBB2_2-.Ltmp0, $4  }
0x21: {  	_ = 	snop  }
0x22: {  	s15 =	sadd.s32 $0x140, s15  }
0x23: {  	_ =	swait.ge [sflag:s9], $0x500  }
0x24: {  	[sflag:s9] =	ssyncset.done $0x0  }
0x25: {  	s14 =	sadd.s32 $0x1, s14  }
0x26: {  	[sflag:s9] =	ssyncadd.s32 $0xFFFFFB00;
	p0 =	sne.s32 s14, s8  }
.Ltmp1:
0x27: {  	[bflag:$0x0] =	sbarrier.arrive $0xFFFF;
	(pc) =	sbr.rel @p0 .LBB2_1-.Ltmp1, $4  }
0x28: {  	[hbm:s7], [sflag:s11] =	dma.local [spmem:s12], $0x500  }
0x29: {  	_ =	swait.ge [sflag:s9], $0x500  }
0x2a: {  	[sflag:s9] =	ssyncset.done $0x0  }
0x2b: {  	[sflag:s9] =	ssyncadd.s32 $0xFFFFFB00  }
0x2c: {  	_ =	sfence.sel $0x180000  }
0x2d: {  	[bflag:$0x0] =	sbarrier.arrive $0xFFFF  }
0x2e: {  	p0 =	sne.s32 s0, $0x0;
	_ =	strace $0x90000047  }
0x2f: {  	s0 =	sadd.s32 @!p0 $0x100000, s1;
	[bflag:$0x2] =	sbarrier.arrive $0xFFFF  }
0x30: {  	[sflag:s0] =	ssyncadd.tile.s32 @!p0 $0x1;
	_ =	shalt  }
.Lfunc_end2:
_tile_overlayer_lowered:
.L_overlay_start_2:
0x31: {  	(tag) =	ssettag $0x2  }
0x32: {  	s0 =	rddreg [dreg:$0x0];
	s2 =	stileid.u32  }
0x33: {  	s1 =	rddreg [dreg:$0x1];
	p0 =	sne.s32 s2, $0x0  }
0x34: {  	s3 =	rddreg [dreg:$0x2];
	[bflag:$0x3] =	sbarrier.arrive $0xFFFF;
	s2 =	simm.s32 @!p0 $0x1C01  }
0x35: {  	[timem:s3], [sflag:s2] =	dma.local @!p0 [hbm:s0], s1  }
0x36: {  	s0 =	simm.s32 @!p0 $0x1  }
0x37: {  	_ =	swait.ge @!p0 [sflag:s0], s1  }
0x38: {  	s1 =	ssub.s32 @!p0 $0x0, s1;
	[sflag:s0] =	ssyncset.done @!p0 $0x0  }
0x39: {  	[sflag:s0] =	ssyncadd.s32 @!p0 s1  }
0x3a: {  	[bflag:$0x3] =	sbarrier.arrive $0xFFFF  }
0x3b: {  	_ =	shalt  }

// kernel: kernel.13.cloned.1.call-start
scs
__scs_entry_jumppad:
0x0: {  	(pc) =	sbr.rel $0x88, $3  }
0x1: {  	(tag) =	ssettag $0x0;
	lr =	simm.s32 $0x1  }
0x2: {  	[smem:$0x3F99] =	sst lr;
	_ =	strace $0xD0000000  }
0x3: {  	_ = 	snop  }
0x4: {  	_ = 	snop  }
0x5: {  	_ = 	snop  }
0x6: {  	_ = 	snop  }
0x7: {  	_ = 	snop  }
__scs_overlays_trampoline_lowered:
0x8: {  	[smem:$0x3FA8] =	sst s0  }
0x9: {  	[smem:$0x3FA9] =	sst s1  }
0xa: {  	[smem:$0x3FAA] =	sst s2  }
0xb: {  	[smem:$0x3FAB] =	sst s3  }
0xc: {  	[smem:$0x3FAC] =	sst s4  }
0xd: {  	[smem:$0x3FAD] =	sst s5  }
0xe: {  	[smem:$0x3FAE] =	sst s6  }
0xf: {  	[smem:$0x3FAF] =	sst s7  }
0x10: {  	[smem:$0x3FB0] =	sst s8  }
0x11: {  	[smem:$0x3FB1] =	sst s9;
	s0 =	simm.s32 @!p0 $0x0  }
0x12: {  	s1 =	sld [smem:$0x3F97];
	s0 =	simm.s32 @p0 $0x1  }
0x13: {  	[smem:$0x3FB2] =	sst s0;
	s0 =	simm.s32 @!p1 $0x0  }
0x14: {  	s2 =	sld [smem:$0x3F96];
	s0 =	simm.s32 @p1 $0x1  }
0x15: {  	[smem:$0x3FB3] =	sst s0;
	s0 =	simm.s32 @!p2 $0x0  }
0x16: {  	s3 =	sld [smem:$0x3FDB];
	s0 =	simm.s32 @p2 $0x1  }
0x17: {  	s4 =	simm.s32 $0x1BF5;
	[smem:$0x3FB5] =	sst s0  }
0x18: {  	s0 =	sld [smem:$0x3F98];
	_ =	swait.ge [sflag:s4], $0x0  }
0x19: {  	s7 =	sld [smem:$0x3F99]  }
0x1a: {  	s8 =	sadd.s32 $0xFFFFE003, lr  }
0x1b: {  	s9 =	sadd.s32 $0xFFFFFEF7, lr;
	s5 =	simm.s32 $0xFFFFFFFF;
	p2 =	slt.u32 s8, $0xFFFFF086  }
0x1c: {  	p1 =	slt.u32 s9, $0xF7A;
	s5 =	simm.s32 @!p2 $0x0  }
0x1d: {  	s5 =	simm.s32 @p1 $0x1;
	p0 =	seq.s32 s7, s2  }
0x1e: {  	s7 =	smul.u32 @!p0 $0xF7A, s2;
	p2 =	seq.s32 @!p0 s5, $0x0  }
0x1f: {  	s9 =	smul.u32 $0xF7A, s1;
	s8 =	simm.s32 @!p0 $0x1BF5;
	p2 =	por !p2, p0  }
0x20: {  	[sflag:s8] =	ssyncset.s32 @!p0 $0xFFFFF086;
	s6 =	sadd.s32 @!p0 s3, s7;
	s7 =	simm.s32 @!p0 $0x108  }
0x21: {  	s3 =	sadd.s32 s3, s9;
	s6 =	sadd.s32 @!p0 $0x88, s6;
	s7 =	simm.s32 @p2 $0x1082  }
0x22: {  	[simem:s7], [sflag:s8] =	dma.local @!p0 [hbm:s6], $0xF7A  }
0x23: {  	s9 =	sor.u32 $0xD0000000, s2;
	s6 =	simm.s32 $0x108;
	_ =	swait.ge @!p0 [sflag:s8], $0x0  }
0x24: {  	s3 =	sadd.s32 $0x88, s3;
	s6 =	simm.s32 @!p1 $0x1082;
	[sflag:s4] =	ssyncset.s32 $0xFFFFF086  }
0x25: {  	[simem:s6], [sflag:s4] =	dma.local [hbm:s3], $0xF7A  }
0x26: {  	[smem:$0x3F99] =	sst s1;
	(tag) =	ssettag s2;
	_ =	strace s9  }
0x27: {  	s1 =	sld [smem:$0x3FA9]  }
0x28: {  	s2 =	sld [smem:$0x3FAA]  }
0x29: {  	s4 =	sld [smem:$0x3FAC]  }
0x2a: {  	p0 =	seq.s32 s5, $0x0;
	s5 =	sld [smem:$0x3FAD]  }
0x2b: {  	s6 =	sld [smem:$0x3FAE]  }
0x2c: {  	s7 =	sld [smem:$0x3FAF]  }
0x2d: {  	s3 =	simm.s32 $0x108;
	s8 =	sld [smem:$0x3FB0]  }
0x2e: {  	s3 =	simm.s32 @!p0 $0x1082;
	s9 =	sld [smem:$0x3FB1]  }
0x2f: {  	lr =	sadd.s32 s0, s3;
	s0 =	sld [smem:$0x3FA8]  }
0x30: {  	s3 =	sld [smem:$0x3FAB]  }
0x31: {  	[smem:$0x3FB4] =	sst s10  }
0x32: {  	s10 =	sld [smem:$0x3FB2];
	_ =	sdelay $0x3  }
0x33: {  	p0 =	seq.s32 s10, $0x1;
	s10 =	sld [smem:$0x3FB4];
	_ =	sdelay $0x3  }
0x34: {  	[smem:$0x3FB4] =	sst s10  }
0x35: {  	s10 =	sld [smem:$0x3FB3];
	_ =	sdelay $0x3  }
0x36: {  	p1 =	seq.s32 s10, $0x1;
	s10 =	sld [smem:$0x3FB4];
	_ =	sdelay $0x3  }
0x37: {  	[smem:$0x3FB4] =	sst s10  }
0x38: {  	s10 =	sld [smem:$0x3FB5]  }
0x39: {  	_ = 	snop;
	(pc) =	sbr.ind lr, $3  }
0x3a: {  	_ = 	snop  }
0x3b: {  	_ = 	snop  }
0x3c: {  	p2 =	seq.s32 s10, $0x1;
	s10 =	sld [smem:$0x3FB4]  }
0x3d: {  	_ =	shalt  }
0x3e: {  	_ =	shalt  }
0x3f: {  	_ =	shalt  }
0x40: {  	_ =	shalt  }
0x41: {  	_ =	shalt  }
0x42: {  	_ =	shalt  }
0x43: {  	_ =	shalt  }
0x44: {  	_ =	shalt  }
0x45: {  	_ =	shalt  }
0x46: {  	_ =	shalt  }
0x47: {  	_ =	shalt  }
0x48: {  	_ =	shalt  }
0x49: {  	_ =	shalt  }
0x4a: {  	_ =	shalt  }
0x4b: {  	_ =	shalt  }
0x4c: {  	_ =	shalt  }
0x4d: {  	_ =	shalt  }
0x4e: {  	_ =	shalt  }
0x4f: {  	_ =	shalt  }
0x50: {  	_ =	shalt  }
0x51: {  	_ =	shalt  }
0x52: {  	_ =	shalt  }
0x53: {  	_ =	shalt  }
0x54: {  	_ =	shalt  }
0x55: {  	_ =	shalt  }
0x56: {  	_ =	shalt  }
0x57: {  	_ =	shalt  }
0x58: {  	_ =	shalt  }
0x59: {  	_ =	shalt  }
0x5a: {  	_ =	shalt  }
0x5b: {  	_ =	shalt  }
0x5c: {  	_ =	shalt  }
0x5d: {  	_ =	shalt  }
0x5e: {  	_ =	shalt  }
0x5f: {  	_ =	shalt  }
0x60: {  	_ =	shalt  }
0x61: {  	_ =	shalt  }
0x62: {  	_ =	shalt  }
0x63: {  	_ =	shalt  }
0x64: {  	_ =	shalt  }
0x65: {  	_ =	shalt  }
0x66: {  	_ =	shalt  }
0x67: {  	_ =	shalt  }
0x68: {  	_ =	shalt  }
0x69: {  	_ =	shalt  }
0x6a: {  	_ =	shalt  }
0x6b: {  	_ =	shalt  }
0x6c: {  	_ =	shalt  }
0x6d: {  	_ =	shalt  }
0x6e: {  	_ =	shalt  }
0x6f: {  	_ =	shalt  }
0x70: {  	_ =	shalt  }
0x71: {  	_ =	shalt  }
0x72: {  	_ =	shalt  }
0x73: {  	_ =	shalt  }
0x74: {  	_ =	shalt  }
0x75: {  	_ =	shalt  }
0x76: {  	_ =	shalt  }
0x77: {  	_ =	shalt  }
0x78: {  	_ =	shalt  }
0x79: {  	_ =	shalt  }
0x7a: {  	_ =	shalt  }
0x7b: {  	_ =	shalt  }
0x7c: {  	_ =	shalt  }
0x7d: {  	_ =	shalt  }
0x7e: {  	_ =	shalt  }
0x7f: {  	_ =	shalt  }
0x80: {  	_ =	shalt  }
0x81: {  	_ =	shalt  }
0x82: {  	_ =	shalt  }
0x83: {  	_ =	shalt  }
0x84: {  	_ =	shalt  }
0x85: {  	_ =	shalt  }
0x86: {  	_ =	shalt  }
0x87: {  	_ =	shalt  }
.Lfunc_end0:
.L_simem_size_0:
called_computation.1_lowered:
.L_overlay_start_0:
0x88: {  	s2 =	sld [smem:$0x3FD9]  }
0x89: {  	s3 =	sld [smem:$0x3FFE];
	_ =	sdelay $0x1  }
0x8a: {  	s1 =	srdreg.scid  }
0x8b: {  	s0 =	sand.u32 $0x1, s1  }
0x8c: {  	s16 =	sshll.u32 s0, $0xA;
	s2 =	sadd.s32 s3, s2  }
0x8d: {  	s2 =	sadd.s32 s2, s16  }
0x8e: {  	[smem:$0x3FC0] =	sst s2  }
0x8f: {  	_ = 	snop  }
0x90: {  	(tm) =	ssettm $0x1  }
0x91: {  	s17 =	sld [smem:$0x3FFB];
	_ =	sdelay $0x3  }
0x92: {  	_ =	strace s17  }
0x93: {  	s2 =	sld [smem:$0x3FFC];
	_ =	sdelay $0x3  }
0x94: {  	_ =	strace s2  }
0x95: {  	s2 =	sld [smem:$0x3FFD];
	_ =	sdelay $0x3  }
0x96: {  	_ =	strace s2  }
0x97: {  	_ =	strace $0x8FFFFFFF  }
0x98: {  	s18 =	sld [smem:$0x3FDB];
	_ =	sdelay $0x1  }
0x99: {  	s19 =	simm.s32 $_scs_section_size  }
0x9a: {  	s4 =	simm.s32 $_size__tile_overlayer_lowered;
	s5 =	simm.s32 $_tile_overlayer_lowered  }
0x9b: {  	s22 =	simm.s32 $0x1BFF;
	s21 =	sshll.u32 s5, $0x1;
	s2 =	sadd.s32 s19, s18  }
0x9c: {  	s6 =	simm.s32 $0x0;
	s20 =	sshll.u32 s4, $0x1;
	s4 =	sadd.s32 s21, s2  }
0x9d: {  	[timem:s6], [sflag:s22] =	dma.local [hbm:s4], s20  }
0x9e: {  	_ =	swait.ge [sflag:s22], s20  }
0x9f: {  	s3 =	ssub.s32 $0x0, s20;
	[sflag:s22] =	ssyncset.done $0x0  }
0xa0: {  	[sflag:s22] =	ssyncadd.s32 s3;
	_ =	sdelay $0x1  }
0xa1: {  	s23 =	simm.s32 $0x1B8B  }
0xa2: {  	_ =	swait.ge [sflag:s23], $0x1  }
0xa3: {  	[sflag:s23] =	ssyncset.done $0x0  }
0xa4: {  	s25 =	simm.s32 $0x1B8E;
	s24 =	sld [smem:$0x3FFE];
	[sflag:s23] =	ssyncadd.s32 $0xFFFFFFFF  }
0xa5: {  	s26 =	simm.s32 $execute0_lowered;
	[smem:$0x3FD2] =	sst s25  }
0xa6: {  	s4 =	sshll.u32 s26, $0x1;
	_ =	strace $0x80000049;
	[dreg:$0x1] =	wrdreg $0xFFFFFFFF  }
0xa7: {  	s28 =	simm.s32 $_size_execute0_lowered;
	s2 =	sadd.s32 s2, s4;
	[dreg:$0x0] =	wrdreg $0x0  }
0xa8: {  	s4 =	sshll.u32 s28, $0x1;
	[dreg:$0x2] =	wrdreg s2  }
0xa9: {  	[dreg:$0x3] =	wrdreg s4  }
0xaa: {  	[dreg:$0x4] =	wrdreg $0xC0  }
0xab: {  	_ =	task [dreg:s6], $0x5FFFF  }
0xac: {  	[dreg:$0x1] =	wrdreg $0xFFFFFFFF  }
0xad: {  	[dreg:$0x0] =	wrdreg $0x60  }
0xae: {  	[dreg:$0x2] =	wrdreg s24  }
0xaf: {  	[dreg:$0x3] =	wrdreg $0x9E200  }
0xb0: {  	[dreg:$0x4] =	wrdreg $0x9  }
0xb1: {  	_ =	task.clear_ibuf [dreg:s6], $0x5FFFF;
	_ =	strace $0x90000049  }
0xb2: {  	s29 =	simm.s32 $0x9;
	_ =	strace $0x8000004B  }
0xb3: {  	_ =	swait.ge [sflag:s29], $0x1  }
0xb4: {  	[sflag:s29] =	ssyncadd.s32 $0xFFFFFFFF  }
0xb5: {  	_ =	strace $0x9000004B  }
0xb6: {  	_ =	sfence  }
0xb7: {  	s30 =	sld [smem:$0x0];
	_ =	sdelay $0x2  }
0xb8: {  	s31 =	sshll.u32 s1, $0xD;
	s1 =	sshrl.u32 s1, $0x2  }
0xb9: {  	s3 =	sand.u32 $0x4000, s31;
	s1 =	sadd.s32 s1, s30  }
0xba: {  	s0 =	sor.u32 s3, s0;
	s1 =	sshll.u32 s1, $0x11  }
0xbb: {  	s0 =	sor.u32 s1, s0  }
0xbc: {  	s0 =	sadd.s32 $0x8F2B, s0  }
0xbd: {  	[sflag:s0] =	ssyncadd.remote.s32 $0x1  }
0xbe: {  	_ =	sfence.sel $0xFFFF  }
0xbf: {  	[dreg:$0x0] =	wrdreg $0xFFFFFFFF;
	(pc) =	sbr.abs _section_cstart, $3  }
0xc0: {  	[dreg:$0x1] =	wrdreg $0xFFFFFFFF  }
0xc1: {  	_ =	task.clear_ibuf [dreg:s6], $0x2FFFF;
	_ =	strace $0x9FFFFFFF  }
0xc2: {  	(tm) =	ssettm $0x7FFFFFFF  }
0xc3: {  	_ =	shalt  }
tec
execute0_lowered:
.L_overlay_start_1:
0x0: {  	(tag) =	ssettag $0x1  }
0x1: {  	s5 =	rddreg [dreg:$0x0]  }
0x2: {  	s2 =	rddreg [dreg:$0x1]  }
0x3: {  	s0 =	rddreg [dreg:$0x2];
	s3 =	simm.s32 $0x0;
	s4 =	srdreg.scid  }
0x4: {  	s1 =	stileid.u32;
	s11 =	simm.s32 $0x2710;
	s14 =	simm.s32 $0x50  }
0x5: {  	s15 =	simm.s32 $0x4E20;
	s16 =	simm.s32 $0x7620;
	s17 =	simm.s32 $0x1  }
0x6: {  	s18 =	simm.s32 $0x2;
	s19 =	simm.s32 $0x4DD0;
	s20 =	simm.s32 $0x0  }
0x7: {  	s6 =	sand.u32 $0x1, s4;
	s31 =	sshll.u32 s1, $0x1;
	s7 =	smul.u32 $0x14000, s1  }
0x8: {  	[smem:$0x7FF] =	sst s3;
	s12 =	sshll.u32 s1, $0x6;
	s4 =	sor.u32 s6, s31  }
0x9: {  	s8 =	smul.u32 $0x140000, s6;
	_ =	strace $0x8000004A;
	s6 =	ssub.s32 $0x2, s6  }
0xa: {  	s12 =	sor.u32 $0x1C03, s12;
	s9 =	smul.u32 $0x4E2, s4;
	s4 =	sadd.s32 $0x17000, s5  }
0xb: {  	s10 =	sshrl.u32 s6, $0x1;
	s13 =	sadd.s32 s7, s2;
	s8 =	sadd.s32 s7, s8  }
0xc: {  	s10 =	ssub.s32 s6, s10;
	s7 =	sshrl.u32 s7, $0x3;
	s13 =	sshrl.u32 s13, $0x3  }
0xd: {  	s9 =	sadd.s32 s9, s5;
	s8 =	sshrl.u32 s8, $0x3;
	s7 =	sadd.s32 s4, s7  }
0xe: {  	s8 =	sadd.s32 s8, s5;
	s5 =	sadd.s32 $0x3400, s9;
	s6 =	sadd.s32 $0xD200, s9  }
0xf: {  	s9 =	smax.u32 s10, $0x1;
	s10 =	simm.s32 $0x3;
	s8 =	sadd.s32 $0xB7000, s8  }
.LBB2_1:
0x10: {  	[tilespmem:s3], [sflag:$0x3] =	stream.linear.gather [hbm4b:s5+s3], $0x2710, $0x38;
	[tilespmem:$0x1DE20] =	vst v63  }
0x11: {  	_ =	swait.ge [sflag:s10], $0x2710  }
0x12: {  	[sflag:s10] =	ssyncset.done $0x0  }
0x13: {  	[sflag:s10] =	ssyncadd.s32 $0xFFFFD8F0  }
0x14: {  	[tilespmem:s11], [sflag:$0x3] =	stream.linear.gather [hbm4b:s6+s3], $0x2710, $0x38;
	[tilespmem:$0x1DE20] =	vst v63  }
0x15: {  	_ =	swait.ge [sflag:s10], $0x2710  }
0x16: {  	[sflag:s10] =	ssyncset.done $0x0  }
0x17: {  	[sflag:s10] =	ssyncadd.s32 $0xFFFFD8F0  }
0x18: {  	[spmem:s13], [sflag:s12] =	dma.local [hbm:s7], $0x2800  }
0x19: {  	_ =	swait.ge [sflag:s10], $0x2800  }
0x1a: {  	[sflag:s10] =	ssyncset.done $0x0  }
0x1b: {  	[sflag:s10] =	ssyncadd.s32 $0xFFFFD800  }
0x1c: {  	[bflag:$0x0] =	sbarrier.arrive $0xFFFF  }
0x1d: {  	[tilespmem:s15], [sflag:$0x1] =	stream.indirect.gather [hbm4b:s4+s14], $0x80, s3, s14, $0xb8;
	[tilespmem:$0x1DE20] =	vst v63  }
0x1e: {  	s21 =	simm.s32 $0x50  }
0x1f: {  	[tilespmem:s16], [sflag:$0x2] =	stream.indirect.gather [hbm4b:s4+s14], $0x80, s21, s14, $0xb8;
	[tilespmem:$0x1DE20] =	vst v63  }
0x20: {  	_ =	swait.ge [sflag:s17], $0x2800  }
0x21: {  	[sflag:s17] =	ssyncset.done $0x0  }
0x22: {  	s29 =	simm.s32 $0x2710;
	[sflag:s17] =	ssyncadd.s32 $0xFFFFD800  }
0x23: {  	[spmem:s2] =	stream.indirect.scatter.add.f32 [tilespmem:s15], [sflag:$0x3], $0x80, s29, s14, $0xb8;
	[tilespmem:$0x1DE20] =	vst v63  }
0x24: {  	_ =	swait.ge [sflag:s10], $0x2800  }
0x25: {  	[sflag:s10] =	ssyncset.done $0x0  }
0x26: {  	s30 =	simm.s32 $0xA0;
	[sflag:s10] =	ssyncadd.s32 $0xFFFFD800  }
0x27: {  	[tilespmem:s15], [sflag:$0x1] =	stream.indirect.gather [hbm4b:s4+s14], $0x80, s30, s14, $0xb8;
	[tilespmem:$0x1DE20] =	vst v63  }
0x28: {  	_ =	swait.ge [sflag:s18], $0x2800  }
0x29: {  	[sflag:s18] =	ssyncset.done $0x0  }
0x2a: {  	s31 =	simm.s32 $0x2760;
	[sflag:s18] =	ssyncadd.s32 $0xFFFFD800  }
0x2b: {  	[spmem:s2] =	stream.indirect.scatter.add.f32 [tilespmem:s16], [sflag:$0x3], $0x80, s31, s14, $0xb8;
	[tilespmem:$0x1DE20] =	vst v63  }
0x2c: {  	_ =	swait.ge [sflag:s10], $0x2800  }
0x2d: {  	s22 =	simm.s32 $0x500;
	s21 =	simm.s32 $0xA0;
	[sflag:s10] =	ssyncset.done $0x0  }
.LBB2_2:
0x2e: {  	s23 =	sadd.s32 $0x50, s21  }
0x2f: {  	[sflag:s10] =	ssyncadd.s32 $0xFFFFD800;
	s24 =	smov.u32 s22;
	s25 =	sadd.s32 $0x280, s22  }
0x30: {  	[tilespmem:s16], [sflag:$0x2] =	stream.indirect.gather [hbm4b:s4+s14], $0x80, s23, s14, $0xb8;
	[tilespmem:$0x1DE20] =	vst v63  }
0x31: {  	p0 =	sne.s32 s22, $0x9880;
	_ =	swait.ge [sflag:s17], $0x2800  }
0x32: {  	[sflag:s17] =	ssyncset.done $0x0  }
0x33: {  	s22 =	sadd.s32 $0x2710, s21;
	[sflag:s17] =	ssyncadd.s32 $0xFFFFD800  }
0x34: {  	[spmem:s2] =	stream.indirect.scatter.add.f32 [tilespmem:s15], [sflag:$0x3], $0x80, s22, s14, $0xb8;
	[tilespmem:$0x1DE20] =	vst v63  }
0x35: {  	_ =	swait.ge [sflag:s10], $0x2800  }
0x36: {  	[sflag:s10] =	ssyncset.done $0x0  }
0x37: {  	s22 =	sadd.s32 $0xA0, s21;
	[sflag:s10] =	ssyncadd.s32 $0xFFFFD800  }
0x38: {  	[tilespmem:s15], [sflag:$0x1] =	stream.indirect.gather [hbm4b:s4+s14], $0x80, s22, s14, $0xb8;
	[tilespmem:$0x1DE20] =	vst v63  }
0x39: {  	_ =	swait.ge [sflag:s18], $0x2800  }
.Ltmp0:
0x3a: {  	[sflag:s18] =	ssyncset.done $0x0;
	(pc) =	sbr.rel @p0 .LBB2_2-.Ltmp0, $4  }
0x3b: {  	s21 =	sadd.s32 $0x2760, s21;
	[sflag:s18] =	ssyncadd.s32 $0xFFFFD800  }
0x3c: {  	[spmem:s2] =	stream.indirect.scatter.add.f32 [tilespmem:s16], [sflag:$0x3], $0x80, s21, s14, $0xb8;
	[tilespmem:$0x1DE20] =	vst v63  }
0x3d: {  	_ =	swait.ge [sflag:s10], $0x2800  }
0x3e: {  	s22 =	smov.u32 s25;
	s21 =	sshra.s32 s24, $0x2;
	[sflag:s10] =	ssyncset.done $0x0  }
0x3f: {  	s22 =	sadd.s32 $0x50, s21;
	[sflag:s10] =	ssyncadd.s32 $0xFFFFD800  }
0x40: {  	[tilespmem:s16], [sflag:$0x2] =	stream.indirect.gather [hbm4b:s4+s14], $0x80, s22, s14, $0xb8;
	[tilespmem:$0x1DE20] =	vst v63  }
0x41: {  	_ =	swait.ge [sflag:s17], $0x2800  }
0x42: {  	[sflag:s17] =	ssyncset.done $0x0  }
0x43: {  	s29 =	sadd.s32 $0x2710, s21;
	[sflag:s17] =	ssyncadd.s32 $0xFFFFD800  }
0x44: {  	[spmem:s2] =	stream.indirect.scatter.add.f32 [tilespmem:s15], [sflag:$0x3], $0x80, s29, s14, $0xb8;
	[tilespmem:$0x1DE20] =	vst v63  }
0x45: {  	_ =	swait.ge [sflag:s10], $0x2800  }
0x46: {  	[sflag:s10] =	ssyncset.done $0x0  }
0x47: {  	s30 =	sadd.s32 $0xA0, s21;
	[sflag:s10] =	ssyncadd.s32 $0xFFFFD800  }
0x48: {  	[tilespmem:s15], [sflag:$0x1] =	stream.indirect.gather [hbm4b:s4+s14], $0x80, s30, s14, $0xb8;
	[tilespmem:$0x1DE20] =	vst v63  }
0x49: {  	_ =	swait.ge [sflag:s18], $0x2800  }
0x4a: {  	[sflag:s18] =	ssyncset.done $0x0  }
0x4b: {  	s31 =	sadd.s32 $0x2760, s21;
	[sflag:s18] =	ssyncadd.s32 $0xFFFFD800  }
0x4c: {  	[spmem:s2] =	stream.indirect.scatter.add.f32 [tilespmem:s16], [sflag:$0x3], $0x80, s31, s14, $0xb8;
	[tilespmem:$0x1DE20] =	vst v63  }
0x4d: {  	_ =	swait.ge [sflag:s10], $0x2800  }
0x4e: {  	[sflag:s10] =	ssyncset.done $0x0  }
0x4f: {  	[sflag:s10] =	ssyncadd.s32 $0xFFFFD800  }
0x50: {  	_ =	swait.ge [sflag:s17], $0x2800  }
0x51: {  	[sflag:s17] =	ssyncset.done $0x0  }
0x52: {  	[sflag:s17] =	ssyncadd.s32 $0xFFFFD800  }
0x53: {  	[spmem:s2] =	stream.indirect.scatter.add.f32 [tilespmem:s15], [sflag:$0x3], $0x80, s19, s14, $0xb8;
	[tilespmem:$0x1DE20] =	vst v63  }
0x54: {  	_ =	swait.ge [sflag:s10], $0x2800  }
0x55: {  	s20 =	sadd.s32 $0x1, s20;
	[sflag:s10] =	ssyncset.done $0x0  }
0x56: {  	p0 =	sne.s32 s20, s9;
	[sflag:s10] =	ssyncadd.s32 $0xFFFFD800  }
.Ltmp1:
0x57: {  	[bflag:$0x0] =	sbarrier.arrive $0xFFFF;
	(pc) =	sbr.rel @p0 .LBB2_1-.Ltmp1, $4  }
0x58: {  	[hbm:s8], [sflag:s12] =	dma.local [spmem:s13], $0x2800  }
0x59: {  	_ =	swait.ge [sflag:s10], $0x2800  }
0x5a: {  	[sflag:s10] =	ssyncset.done $0x0  }
0x5b: {  	[sflag:s10] =	ssyncadd.s32 $0xFFFFD800  }
0x5c: {  	_ =	sfence.sel $0x180000  }
0x5d: {  	[bflag:$0x0] =	sbarrier.arrive $0xFFFF  }
0x5e: {  	p0 =	sne.s32 s1, $0x0;
	_ =	strace $0x9000004A  }
0x5f: {  	s0 =	sadd.s32 @!p0 $0x100000, s0;
	[bflag:$0x2] =	sbarrier.arrive $0xFFFF  }
0x60: {  	[sflag:s0] =	ssyncadd.tile.s32 @!p0 $0x1;
	_ =	shalt  }
.Lfunc_end2:
_tile_overlayer_lowered:
.L_overlay_start_2:
0x61: {  	(tag) =	ssettag $0x2  }
0x62: {  	s0 =	rddreg [dreg:$0x0];
	s2 =	stileid.u32  }
0x63: {  	s1 =	rddreg [dreg:$0x1];
	p0 =	sne.s32 s2, $0x0  }
0x64: {  	s3 =	rddreg [dreg:$0x2];
	[bflag:$0x3] =	sbarrier.arrive $0xFFFF;
	s2 =	simm.s32 @!p0 $0x1C03  }
0x65: {  	[timem:s3], [sflag:s2] =	dma.local @!p0 [hbm:s0], s1  }
0x66: {  	s0 =	simm.s32 @!p0 $0x3  }
0x67: {  	_ =	swait.ge @!p0 [sflag:s0], s1  }
0x68: {  	s1 =	ssub.s32 @!p0 $0x0, s1;
	[sflag:s0] =	ssyncset.done @!p0 $0x0  }
0x69: {  	[sflag:s0] =	ssyncadd.s32 @!p0 s1  }
0x6a: {  	[bflag:$0x3] =	sbarrier.arrive $0xFFFF  }
0x6b: {  	_ =	shalt  }

// kernel: kernel.16.cloned.1.call-start
scs
__scs_entry_jumppad:
0x0: {  	(pc) =	sbr.rel $0x88, $3  }
0x1: {  	(tag) =	ssettag $0x0;
	lr =	simm.s32 $0x1  }
0x2: {  	[smem:$0x3F99] =	sst lr;
	_ =	strace $0xD0000000  }
0x3: {  	_ = 	snop  }
0x4: {  	_ = 	snop  }
0x5: {  	_ = 	snop  }
0x6: {  	_ = 	snop  }
0x7: {  	_ = 	snop  }
__scs_overlays_trampoline_lowered:
0x8: {  	[smem:$0x3FA8] =	sst s0  }
0x9: {  	[smem:$0x3FA9] =	sst s1  }
0xa: {  	[smem:$0x3FAA] =	sst s2  }
0xb: {  	[smem:$0x3FAB] =	sst s3  }
0xc: {  	[smem:$0x3FAC] =	sst s4  }
0xd: {  	[smem:$0x3FAD] =	sst s5  }
0xe: {  	[smem:$0x3FAE] =	sst s6  }
0xf: {  	[smem:$0x3FAF] =	sst s7  }
0x10: {  	[smem:$0x3FB0] =	sst s8  }
0x11: {  	[smem:$0x3FB1] =	sst s9;
	s0 =	simm.s32 @!p0 $0x0  }
0x12: {  	s1 =	sld [smem:$0x3F97];
	s0 =	simm.s32 @p0 $0x1  }
0x13: {  	[smem:$0x3FB2] =	sst s0;
	s0 =	simm.s32 @!p1 $0x0  }
0x14: {  	s2 =	sld [smem:$0x3F96];
	s0 =	simm.s32 @p1 $0x1  }
0x15: {  	[smem:$0x3FB3] =	sst s0;
	s0 =	simm.s32 @!p2 $0x0  }
0x16: {  	s3 =	sld [smem:$0x3FDB];
	s0 =	simm.s32 @p2 $0x1  }
0x17: {  	s4 =	simm.s32 $0x1BF5;
	[smem:$0x3FB5] =	sst s0  }
0x18: {  	s0 =	sld [smem:$0x3F98];
	_ =	swait.ge [sflag:s4], $0x0  }
0x19: {  	s7 =	sld [smem:$0x3F99]  }
0x1a: {  	s8 =	sadd.s32 $0xFFFFE003, lr  }
0x1b: {  	s9 =	sadd.s32 $0xFFFFFEF7, lr;
	s5 =	simm.s32 $0xFFFFFFFF;
	p2 =	slt.u32 s8, $0xFFFFF086  }
0x1c: {  	p1 =	slt.u32 s9, $0xF7A;
	s5 =	simm.s32 @!p2 $0x0  }
0x1d: {  	s5 =	simm.s32 @p1 $0x1;
	p0 =	seq.s32 s7, s2  }
0x1e: {  	s7 =	smul.u32 @!p0 $0xF7A, s2;
	p2 =	seq.s32 @!p0 s5, $0x0  }
0x1f: {  	s9 =	smul.u32 $0xF7A, s1;
	s8 =	simm.s32 @!p0 $0x1BF5;
	p2 =	por !p2, p0  }
0x20: {  	[sflag:s8] =	ssyncset.s32 @!p0 $0xFFFFF086;
	s6 =	sadd.s32 @!p0 s3, s7;
	s7 =	simm.s32 @!p0 $0x108  }
0x21: {  	s3 =	sadd.s32 s3, s9;
	s6 =	sadd.s32 @!p0 $0x88, s6;
	s7 =	simm.s32 @p2 $0x1082  }
0x22: {  	[simem:s7], [sflag:s8] =	dma.local @!p0 [hbm:s6], $0xF7A  }
0x23: {  	s9 =	sor.u32 $0xD0000000, s2;
	s6 =	simm.s32 $0x108;
	_ =	swait.ge @!p0 [sflag:s8], $0x0  }
0x24: {  	s3 =	sadd.s32 $0x88, s3;
	s6 =	simm.s32 @!p1 $0x1082;
	[sflag:s4] =	ssyncset.s32 $0xFFFFF086  }
0x25: {  	[simem:s6], [sflag:s4] =	dma.local [hbm:s3], $0xF7A  }
0x26: {  	[smem:$0x3F99] =	sst s1;
	(tag) =	ssettag s2;
	_ =	strace s9  }
0x27: {  	s1 =	sld [smem:$0x3FA9]  }
0x28: {  	s2 =	sld [smem:$0x3FAA]  }
0x29: {  	s4 =	sld [smem:$0x3FAC]  }
0x2a: {  	p0 =	seq.s32 s5, $0x0;
	s5 =	sld [smem:$0x3FAD]  }
0x2b: {  	s6 =	sld [smem:$0x3FAE]  }
0x2c: {  	s7 =	sld [smem:$0x3FAF]  }
0x2d: {  	s3 =	simm.s32 $0x108;
	s8 =	sld [smem:$0x3FB0]  }
0x2e: {  	s3 =	simm.s32 @!p0 $0x1082;
	s9 =	sld [smem:$0x3FB1]  }
0x2f: {  	lr =	sadd.s32 s0, s3;
	s0 =	sld [smem:$0x3FA8]  }
0x30: {  	s3 =	sld [smem:$0x3FAB]  }
0x31: {  	[smem:$0x3FB4] =	sst s10  }
0x32: {  	s10 =	sld [smem:$0x3FB2];
	_ =	sdelay $0x3  }
0x33: {  	p0 =	seq.s32 s10, $0x1;
	s10 =	sld [smem:$0x3FB4];
	_ =	sdelay $0x3  }
0x34: {  	[smem:$0x3FB4] =	sst s10  }
0x35: {  	s10 =	sld [smem:$0x3FB3];
	_ =	sdelay $0x3  }
0x36: {  	p1 =	seq.s32 s10, $0x1;
	s10 =	sld [smem:$0x3FB4];
	_ =	sdelay $0x3  }
0x37: {  	[smem:$0x3FB4] =	sst s10  }
0x38: {  	s10 =	sld [smem:$0x3FB5]  }
0x39: {  	_ = 	snop;
	(pc) =	sbr.ind lr, $3  }
0x3a: {  	_ = 	snop  }
0x3b: {  	_ = 	snop  }
0x3c: {  	p2 =	seq.s32 s10, $0x1;
	s10 =	sld [smem:$0x3FB4]  }
0x3d: {  	_ =	shalt  }
0x3e: {  	_ =	shalt  }
0x3f: {  	_ =	shalt  }
0x40: {  	_ =	shalt  }
0x41: {  	_ =	shalt  }
0x42: {  	_ =	shalt  }
0x43: {  	_ =	shalt  }
0x44: {  	_ =	shalt  }
0x45: {  	_ =	shalt  }
0x46: {  	_ =	shalt  }
0x47: {  	_ =	shalt  }
0x48: {  	_ =	shalt  }
0x49: {  	_ =	shalt  }
0x4a: {  	_ =	shalt  }
0x4b: {  	_ =	shalt  }
0x4c: {  	_ =	shalt  }
0x4d: {  	_ =	shalt  }
0x4e: {  	_ =	shalt  }
0x4f: {  	_ =	shalt  }
0x50: {  	_ =	shalt  }
0x51: {  	_ =	shalt  }
0x52: {  	_ =	shalt  }
0x53: {  	_ =	shalt  }
0x54: {  	_ =	shalt  }
0x55: {  	_ =	shalt  }
0x56: {  	_ =	shalt  }
0x57: {  	_ =	shalt  }
0x58: {  	_ =	shalt  }
0x59: {  	_ =	shalt  }
0x5a: {  	_ =	shalt  }
0x5b: {  	_ =	shalt  }
0x5c: {  	_ =	shalt  }
0x5d: {  	_ =	shalt  }
0x5e: {  	_ =	shalt  }
0x5f: {  	_ =	shalt  }
0x60: {  	_ =	shalt  }
0x61: {  	_ =	shalt  }
0x62: {  	_ =	shalt  }
0x63: {  	_ =	shalt  }
0x64: {  	_ =	shalt  }
0x65: {  	_ =	shalt  }
0x66: {  	_ =	shalt  }
0x67: {  	_ =	shalt  }
0x68: {  	_ =	shalt  }
0x69: {  	_ =	shalt  }
0x6a: {  	_ =	shalt  }
0x6b: {  	_ =	shalt  }
0x6c: {  	_ =	shalt  }
0x6d: {  	_ =	shalt  }
0x6e: {  	_ =	shalt  }
0x6f: {  	_ =	shalt  }
0x70: {  	_ =	shalt  }
0x71: {  	_ =	shalt  }
0x72: {  	_ =	shalt  }
0x73: {  	_ =	shalt  }
0x74: {  	_ =	shalt  }
0x75: {  	_ =	shalt  }
0x76: {  	_ =	shalt  }
0x77: {  	_ =	shalt  }
0x78: {  	_ =	shalt  }
0x79: {  	_ =	shalt  }
0x7a: {  	_ =	shalt  }
0x7b: {  	_ =	shalt  }
0x7c: {  	_ =	shalt  }
0x7d: {  	_ =	shalt  }
0x7e: {  	_ =	shalt  }
0x7f: {  	_ =	shalt  }
0x80: {  	_ =	shalt  }
0x81: {  	_ =	shalt  }
0x82: {  	_ =	shalt  }
0x83: {  	_ =	shalt  }
0x84: {  	_ =	shalt  }
0x85: {  	_ =	shalt  }
0x86: {  	_ =	shalt  }
0x87: {  	_ =	shalt  }
.Lfunc_end0:
.L_simem_size_0:
called_computation.2_lowered:
.L_overlay_start_0:
0x88: {  	s2 =	sld [smem:$0x3FD9]  }
0x89: {  	s3 =	sld [smem:$0x3FFE];
	_ =	sdelay $0x1  }
0x8a: {  	s1 =	srdreg.scid  }
0x8b: {  	s0 =	sand.u32 $0x1, s1  }
0x8c: {  	s16 =	sshll.u32 s0, $0xA;
	s2 =	sadd.s32 s3, s2  }
0x8d: {  	s2 =	sadd.s32 s2, s16  }
0x8e: {  	[smem:$0x3FC0] =	sst s2  }
0x8f: {  	_ = 	snop  }
0x90: {  	(tm) =	ssettm $0x1  }
0x91: {  	s17 =	sld [smem:$0x3FFB];
	_ =	sdelay $0x3  }
0x92: {  	_ =	strace s17  }
0x93: {  	s2 =	sld [smem:$0x3FFC];
	_ =	sdelay $0x3  }
0x94: {  	_ =	strace s2  }
0x95: {  	s2 =	sld [smem:$0x3FFD];
	_ =	sdelay $0x3  }
0x96: {  	_ =	strace s2  }
0x97: {  	_ =	strace $0x8FFFFFFF  }
0x98: {  	s18 =	sld [smem:$0x3FDB];
	_ =	sdelay $0x1  }
0x99: {  	s19 =	simm.s32 $_scs_section_size  }
0x9a: {  	s4 =	simm.s32 $_size__tile_overlayer_lowered;
	s5 =	simm.s32 $_tile_overlayer_lowered  }
0x9b: {  	s22 =	simm.s32 $0x1BFF;
	s21 =	sshll.u32 s5, $0x1;
	s2 =	sadd.s32 s19, s18  }
0x9c: {  	s6 =	simm.s32 $0x0;
	s20 =	sshll.u32 s4, $0x1;
	s4 =	sadd.s32 s21, s2  }
0x9d: {  	[timem:s6], [sflag:s22] =	dma.local [hbm:s4], s20  }
0x9e: {  	_ =	swait.ge [sflag:s22], s20  }
0x9f: {  	s3 =	ssub.s32 $0x0, s20;
	[sflag:s22] =	ssyncset.done $0x0  }
0xa0: {  	[sflag:s22] =	ssyncadd.s32 s3;
	_ =	sdelay $0x1  }
0xa1: {  	s23 =	simm.s32 $0x1B8B  }
0xa2: {  	_ =	swait.ge [sflag:s23], $0x1  }
0xa3: {  	[sflag:s23] =	ssyncset.done $0x0  }
0xa4: {  	s25 =	simm.s32 $0x1B8E;
	s24 =	sld [smem:$0x3FFE];
	[sflag:s23] =	ssyncadd.s32 $0xFFFFFFFF  }
0xa5: {  	s26 =	simm.s32 $execute0_lowered;
	[smem:$0x3FD2] =	sst s25  }
0xa6: {  	s4 =	sshll.u32 s26, $0x1;
	_ =	strace $0x8000004C;
	[dreg:$0x1] =	wrdreg $0xFFFFFFFF  }
0xa7: {  	s28 =	simm.s32 $_size_execute0_lowered;
	s2 =	sadd.s32 s2, s4;
	[dreg:$0x0] =	wrdreg $0x0  }
0xa8: {  	s4 =	sshll.u32 s28, $0x1;
	[dreg:$0x2] =	wrdreg s2  }
0xa9: {  	[dreg:$0x3] =	wrdreg s4  }
0xaa: {  	[dreg:$0x4] =	wrdreg $0xC0  }
0xab: {  	_ =	task [dreg:s6], $0x5FFFF  }
0xac: {  	[dreg:$0x1] =	wrdreg $0xFFFFFFFF  }
0xad: {  	[dreg:$0x0] =	wrdreg $0x60  }
0xae: {  	[dreg:$0x2] =	wrdreg s24  }
0xaf: {  	[dreg:$0x3] =	wrdreg $0x9E200  }
0xb0: {  	[dreg:$0x4] =	wrdreg $0x9  }
0xb1: {  	_ =	task.clear_ibuf [dreg:s6], $0x5FFFF;
	_ =	strace $0x9000004C  }
0xb2: {  	s29 =	simm.s32 $0x9;
	_ =	strace $0x8000004E  }
0xb3: {  	_ =	swait.ge [sflag:s29], $0x1  }
0xb4: {  	[sflag:s29] =	ssyncadd.s32 $0xFFFFFFFF  }
0xb5: {  	_ =	strace $0x9000004E  }
0xb6: {  	_ =	sfence  }
0xb7: {  	s30 =	sld [smem:$0x0];
	_ =	sdelay $0x2  }
0xb8: {  	s31 =	sshll.u32 s1, $0xD;
	s1 =	sshrl.u32 s1, $0x2  }
0xb9: {  	s3 =	sand.u32 $0x4000, s31;
	s1 =	sadd.s32 s1, s30  }
0xba: {  	s0 =	sor.u32 s3, s0;
	s1 =	sshll.u32 s1, $0x11  }
0xbb: {  	s0 =	sor.u32 s1, s0  }
0xbc: {  	s0 =	sadd.s32 $0x8F2B, s0  }
0xbd: {  	[sflag:s0] =	ssyncadd.remote.s32 $0x1  }
0xbe: {  	_ =	sfence.sel $0xFFFF  }
0xbf: {  	[dreg:$0x0] =	wrdreg $0xFFFFFFFF;
	(pc) =	sbr.abs _section_cstart, $3  }
0xc0: {  	[dreg:$0x1] =	wrdreg $0xFFFFFFFF  }
0xc1: {  	_ =	task.clear_ibuf [dreg:s6], $0x2FFFF;
	_ =	strace $0x9FFFFFFF  }
0xc2: {  	(tm) =	ssettm $0x7FFFFFFF  }
0xc3: {  	_ =	shalt  }
tec
execute0_lowered:
.L_overlay_start_1:
0x0: {  	(tag) =	ssettag $0x1  }
0x1: {  	s5 =	rddreg [dreg:$0x0]  }
0x2: {  	s2 =	rddreg [dreg:$0x1]  }
0x3: {  	s0 =	rddreg [dreg:$0x2];
	s3 =	simm.s32 $0x0;
	s4 =	srdreg.scid  }
0x4: {  	s1 =	stileid.u32;
	s11 =	simm.s32 $0x2710;
	s14 =	simm.s32 $0x50  }
0x5: {  	s15 =	simm.s32 $0x4E20;
	s16 =	simm.s32 $0x7620;
	s17 =	simm.s32 $0x1  }
0x6: {  	s18 =	simm.s32 $0x2;
	s19 =	simm.s32 $0x4DD0;
	s20 =	simm.s32 $0x0  }
0x7: {  	s6 =	sand.u32 $0x1, s4;
	s31 =	sshll.u32 s1, $0x1;
	s7 =	smul.u32 $0x14000, s1  }
0x8: {  	[smem:$0x7FF] =	sst s3;
	s12 =	sshll.u32 s1, $0x6;
	s4 =	sor.u32 s6, s31  }
0x9: {  	s8 =	smul.u32 $0x140000, s6;
	_ =	strace $0x8000004D;
	s6 =	ssub.s32 $0x2, s6  }
0xa: {  	s12 =	sor.u32 $0x1C03, s12;
	s9 =	smul.u32 $0x4E2, s4;
	s4 =	sadd.s32 $0x17000, s5  }
0xb: {  	s10 =	sshrl.u32 s6, $0x1;
	s13 =	sadd.s32 s7, s2;
	s8 =	sadd.s32 s7, s8  }
0xc: {  	s10 =	ssub.s32 s6, s10;
	s7 =	sshrl.u32 s7, $0x3;
	s13 =	sshrl.u32 s13, $0x3  }
0xd: {  	s9 =	sadd.s32 s9, s5;
	s8 =	sshrl.u32 s8, $0x3;
	s7 =	sadd.s32 s4, s7  }
0xe: {  	s8 =	sadd.s32 s8, s5;
	s5 =	sadd.s32 $0x3400, s9;
	s6 =	sadd.s32 $0xD200, s9  }
0xf: {  	s9 =	smax.u32 s10, $0x1;
	s10 =	simm.s32 $0x3;
	s8 =	sadd.s32 $0x3F000, s8  }
.LBB2_1:
0x10: {  	[tilespmem:s3], [sflag:$0x3] =	stream.linear.gather [hbm4b:s5+s3], $0x2710, $0x38;
	[tilespmem:$0x1DE20] =	vst v63  }
0x11: {  	_ =	swait.ge [sflag:s10], $0x2710  }
0x12: {  	[sflag:s10] =	ssyncset.done $0x0  }
0x13: {  	[sflag:s10] =	ssyncadd.s32 $0xFFFFD8F0  }
0x14: {  	[tilespmem:s11], [sflag:$0x3] =	stream.linear.gather [hbm4b:s6+s3], $0x2710, $0x38;
	[tilespmem:$0x1DE20] =	vst v63  }
0x15: {  	_ =	swait.ge [sflag:s10], $0x2710  }
0x16: {  	[sflag:s10] =	ssyncset.done $0x0  }
0x17: {  	[sflag:s10] =	ssyncadd.s32 $0xFFFFD8F0  }
0x18: {  	[spmem:s13], [sflag:s12] =	dma.local [hbm:s7], $0x2800  }
0x19: {  	_ =	swait.ge [sflag:s10], $0x2800  }
0x1a: {  	[sflag:s10] =	ssyncset.done $0x0  }
0x1b: {  	[sflag:s10] =	ssyncadd.s32 $0xFFFFD800  }
0x1c: {  	[bflag:$0x0] =	sbarrier.arrive $0xFFFF  }
0x1d: {  	[tilespmem:s15], [sflag:$0x1] =	stream.indirect.gather [hbm4b:s4+s14], $0x80, s3, s14, $0xb8;
	[tilespmem:$0x1DE20] =	vst v63  }
0x1e: {  	s21 =	simm.s32 $0x50  }
0x1f: {  	[tilespmem:s16], [sflag:$0x2] =	stream.indirect.gather [hbm4b:s4+s14], $0x80, s21, s14, $0xb8;
	[tilespmem:$0x1DE20] =	vst v63  }
0x20: {  	_ =	swait.ge [sflag:s17], $0x2800  }
0x21: {  	[sflag:s17] =	ssyncset.done $0x0  }
0x22: {  	s29 =	simm.s32 $0x2710;
	[sflag:s17] =	ssyncadd.s32 $0xFFFFD800  }
0x23: {  	[spmem:s2] =	stream.indirect.scatter.add.f32 [tilespmem:s15], [sflag:$0x3], $0x80, s29, s14, $0xb8;
	[tilespmem:$0x1DE20] =	vst v63  }
0x24: {  	_ =	swait.ge [sflag:s10], $0x2800  }
0x25: {  	[sflag:s10] =	ssyncset.done $0x0  }
0x26: {  	s30 =	simm.s32 $0xA0;
	[sflag:s10] =	ssyncadd.s32 $0xFFFFD800  }
0x27: {  	[tilespmem:s15], [sflag:$0x1] =	stream.indirect.gather [hbm4b:s4+s14], $0x80, s30, s14, $0xb8;
	[tilespmem:$0x1DE20] =	vst v63  }
0x28: {  	_ =	swait.ge [sflag:s18], $0x2800  }
0x29: {  	[sflag:s18] =	ssyncset.done $0x0  }
0x2a: {  	s31 =	simm.s32 $0x2760;
	[sflag:s18] =	ssyncadd.s32 $0xFFFFD800  }
0x2b: {  	[spmem:s2] =	stream.indirect.scatter.add.f32 [tilespmem:s16], [sflag:$0x3], $0x80, s31, s14, $0xb8;
	[tilespmem:$0x1DE20] =	vst v63  }
0x2c: {  	_ =	swait.ge [sflag:s10], $0x2800  }
0x2d: {  	s22 =	simm.s32 $0x500;
	s21 =	simm.s32 $0xA0;
	[sflag:s10] =	ssyncset.done $0x0  }
.LBB2_2:
0x2e: {  	s23 =	sadd.s32 $0x50, s21  }
0x2f: {  	[sflag:s10] =	ssyncadd.s32 $0xFFFFD800;
	s24 =	smov.u32 s22;
	s25 =	sadd.s32 $0x280, s22  }
0x30: {  	[tilespmem:s16], [sflag:$0x2] =	stream.indirect.gather [hbm4b:s4+s14], $0x80, s23, s14, $0xb8;
	[tilespmem:$0x1DE20] =	vst v63  }
0x31: {  	p0 =	sne.s32 s22, $0x9880;
	_ =	swait.ge [sflag:s17], $0x2800  }
0x32: {  	[sflag:s17] =	ssyncset.done $0x0  }
0x33: {  	s22 =	sadd.s32 $0x2710, s21;
	[sflag:s17] =	ssyncadd.s32 $0xFFFFD800  }
0x34: {  	[spmem:s2] =	stream.indirect.scatter.add.f32 [tilespmem:s15], [sflag:$0x3], $0x80, s22, s14, $0xb8;
	[tilespmem:$0x1DE20] =	vst v63  }
0x35: {  	_ =	swait.ge [sflag:s10], $0x2800  }
0x36: {  	[sflag:s10] =	ssyncset.done $0x0  }
0x37: {  	s22 =	sadd.s32 $0xA0, s21;
	[sflag:s10] =	ssyncadd.s32 $0xFFFFD800  }
0x38: {  	[tilespmem:s15], [sflag:$0x1] =	stream.indirect.gather [hbm4b:s4+s14], $0x80, s22, s14, $0xb8;
	[tilespmem:$0x1DE20] =	vst v63  }
0x39: {  	_ =	swait.ge [sflag:s18], $0x2800  }
.Ltmp0:
0x3a: {  	[sflag:s18] =	ssyncset.done $0x0;
	(pc) =	sbr.rel @p0 .LBB2_2-.Ltmp0, $4  }
0x3b: {  	s21 =	sadd.s32 $0x2760, s21;
	[sflag:s18] =	ssyncadd.s32 $0xFFFFD800  }
0x3c: {  	[spmem:s2] =	stream.indirect.scatter.add.f32 [tilespmem:s16], [sflag:$0x3], $0x80, s21, s14, $0xb8;
	[tilespmem:$0x1DE20] =	vst v63  }
0x3d: {  	_ =	swait.ge [sflag:s10], $0x2800  }
0x3e: {  	s22 =	smov.u32 s25;
	s21 =	sshra.s32 s24, $0x2;
	[sflag:s10] =	ssyncset.done $0x0  }
0x3f: {  	s22 =	sadd.s32 $0x50, s21;
	[sflag:s10] =	ssyncadd.s32 $0xFFFFD800  }
0x40: {  	[tilespmem:s16], [sflag:$0x2] =	stream.indirect.gather [hbm4b:s4+s14], $0x80, s22, s14, $0xb8;
	[tilespmem:$0x1DE20] =	vst v63  }
0x41: {  	_ =	swait.ge [sflag:s17], $0x2800  }
0x42: {  	[sflag:s17] =	ssyncset.done $0x0  }
0x43: {  	s29 =	sadd.s32 $0x2710, s21;
	[sflag:s17] =	ssyncadd.s32 $0xFFFFD800  }
0x44: {  	[spmem:s2] =	stream.indirect.scatter.add.f32 [tilespmem:s15], [sflag:$0x3], $0x80, s29, s14, $0xb8;
	[tilespmem:$0x1DE20] =	vst v63  }
0x45: {  	_ =	swait.ge [sflag:s10], $0x2800  }
0x46: {  	[sflag:s10] =	ssyncset.done $0x0  }
0x47: {  	s30 =	sadd.s32 $0xA0, s21;
	[sflag:s10] =	ssyncadd.s32 $0xFFFFD800  }
0x48: {  	[tilespmem:s15], [sflag:$0x1] =	stream.indirect.gather [hbm4b:s4+s14], $0x80, s30, s14, $0xb8;
	[tilespmem:$0x1DE20] =	vst v63  }
0x49: {  	_ =	swait.ge [sflag:s18], $0x2800  }
0x4a: {  	[sflag:s18] =	ssyncset.done $0x0  }
0x4b: {  	s31 =	sadd.s32 $0x2760, s21;
	[sflag:s18] =	ssyncadd.s32 $0xFFFFD800  }
0x4c: {  	[spmem:s2] =	stream.indirect.scatter.add.f32 [tilespmem:s16], [sflag:$0x3], $0x80, s31, s14, $0xb8;
	[tilespmem:$0x1DE20] =	vst v63  }
0x4d: {  	_ =	swait.ge [sflag:s10], $0x2800  }
0x4e: {  	[sflag:s10] =	ssyncset.done $0x0  }
0x4f: {  	[sflag:s10] =	ssyncadd.s32 $0xFFFFD800  }
0x50: {  	_ =	swait.ge [sflag:s17], $0x2800  }
0x51: {  	[sflag:s17] =	ssyncset.done $0x0  }
0x52: {  	[sflag:s17] =	ssyncadd.s32 $0xFFFFD800  }
0x53: {  	[spmem:s2] =	stream.indirect.scatter.add.f32 [tilespmem:s15], [sflag:$0x3], $0x80, s19, s14, $0xb8;
	[tilespmem:$0x1DE20] =	vst v63  }
0x54: {  	_ =	swait.ge [sflag:s10], $0x2800  }
0x55: {  	s20 =	sadd.s32 $0x1, s20;
	[sflag:s10] =	ssyncset.done $0x0  }
0x56: {  	p0 =	sne.s32 s20, s9;
	[sflag:s10] =	ssyncadd.s32 $0xFFFFD800  }
.Ltmp1:
0x57: {  	[bflag:$0x0] =	sbarrier.arrive $0xFFFF;
	(pc) =	sbr.rel @p0 .LBB2_1-.Ltmp1, $4  }
0x58: {  	[hbm:s8], [sflag:s12] =	dma.local [spmem:s13], $0x2800  }
0x59: {  	_ =	swait.ge [sflag:s10], $0x2800  }
0x5a: {  	[sflag:s10] =	ssyncset.done $0x0  }
0x5b: {  	[sflag:s10] =	ssyncadd.s32 $0xFFFFD800  }
0x5c: {  	_ =	sfence.sel $0x180000  }
0x5d: {  	[bflag:$0x0] =	sbarrier.arrive $0xFFFF  }
0x5e: {  	p0 =	sne.s32 s1, $0x0;
	_ =	strace $0x9000004D  }
0x5f: {  	s0 =	sadd.s32 @!p0 $0x100000, s0;
	[bflag:$0x2] =	sbarrier.arrive $0xFFFF  }
0x60: {  	[sflag:s0] =	ssyncadd.tile.s32 @!p0 $0x1;
	_ =	shalt  }
.Lfunc_end2:
_tile_overlayer_lowered:
.L_overlay_start_2:
0x61: {  	(tag) =	ssettag $0x2  }
0x62: {  	s0 =	rddreg [dreg:$0x0];
	s2 =	stileid.u32  }
0x63: {  	s1 =	rddreg [dreg:$0x1];
	p0 =	sne.s32 s2, $0x0  }
0x64: {  	s3 =	rddreg [dreg:$0x2];
	[bflag:$0x3] =	sbarrier.arrive $0xFFFF;
	s2 =	simm.s32 @!p0 $0x1C03  }
0x65: {  	[timem:s3], [sflag:s2] =	dma.local @!p0 [hbm:s0], s1  }
0x66: {  	s0 =	simm.s32 @!p0 $0x3  }
0x67: {  	_ =	swait.ge @!p0 [sflag:s0], s1  }
0x68: {  	s1 =	ssub.s32 @!p0 $0x0, s1;
	[sflag:s0] =	ssyncset.done @!p0 $0x0  }
0x69: {  	[sflag:s0] =	ssyncadd.s32 @!p0 s1  }
0x6a: {  	[bflag:$0x3] =	sbarrier.arrive $0xFFFF  }
0x6b: {  	_ =	shalt  }

// kernel: kernel.19.cloned.1.call-start
scs
__scs_entry_jumppad:
0x0: {  	(pc) =	sbr.rel $0x88, $3  }
0x1: {  	(tag) =	ssettag $0x0;
	lr =	simm.s32 $0x1  }
0x2: {  	[smem:$0x3F99] =	sst lr;
	_ =	strace $0xD0000000  }
0x3: {  	_ = 	snop  }
0x4: {  	_ = 	snop  }
0x5: {  	_ = 	snop  }
0x6: {  	_ = 	snop  }
0x7: {  	_ = 	snop  }
__scs_overlays_trampoline_lowered:
0x8: {  	[smem:$0x3FA8] =	sst s0  }
0x9: {  	[smem:$0x3FA9] =	sst s1  }
0xa: {  	[smem:$0x3FAA] =	sst s2  }
0xb: {  	[smem:$0x3FAB] =	sst s3  }
0xc: {  	[smem:$0x3FAC] =	sst s4  }
0xd: {  	[smem:$0x3FAD] =	sst s5  }
0xe: {  	[smem:$0x3FAE] =	sst s6  }
0xf: {  	[smem:$0x3FAF] =	sst s7  }
0x10: {  	[smem:$0x3FB0] =	sst s8  }
0x11: {  	[smem:$0x3FB1] =	sst s9;
	s0 =	simm.s32 @!p0 $0x0  }
0x12: {  	s1 =	sld [smem:$0x3F97];
	s0 =	simm.s32 @p0 $0x1  }
0x13: {  	[smem:$0x3FB2] =	sst s0;
	s0 =	simm.s32 @!p1 $0x0  }
0x14: {  	s2 =	sld [smem:$0x3F96];
	s0 =	simm.s32 @p1 $0x1  }
0x15: {  	[smem:$0x3FB3] =	sst s0;
	s0 =	simm.s32 @!p2 $0x0  }
0x16: {  	s3 =	sld [smem:$0x3FDB];
	s0 =	simm.s32 @p2 $0x1  }
0x17: {  	s4 =	simm.s32 $0x1BF5;
	[smem:$0x3FB5] =	sst s0  }
0x18: {  	s0 =	sld [smem:$0x3F98];
	_ =	swait.ge [sflag:s4], $0x0  }
0x19: {  	s7 =	sld [smem:$0x3F99]  }
0x1a: {  	s8 =	sadd.s32 $0xFFFFE003, lr  }
0x1b: {  	s9 =	sadd.s32 $0xFFFFFEF7, lr;
	s5 =	simm.s32 $0xFFFFFFFF;
	p2 =	slt.u32 s8, $0xFFFFF086  }
0x1c: {  	p1 =	slt.u32 s9, $0xF7A;
	s5 =	simm.s32 @!p2 $0x0  }
0x1d: {  	s5 =	simm.s32 @p1 $0x1;
	p0 =	seq.s32 s7, s2  }
0x1e: {  	s7 =	smul.u32 @!p0 $0xF7A, s2;
	p2 =	seq.s32 @!p0 s5, $0x0  }
0x1f: {  	s9 =	smul.u32 $0xF7A, s1;
	s8 =	simm.s32 @!p0 $0x1BF5;
	p2 =	por !p2, p0  }
0x20: {  	[sflag:s8] =	ssyncset.s32 @!p0 $0xFFFFF086;
	s6 =	sadd.s32 @!p0 s3, s7;
	s7 =	simm.s32 @!p0 $0x108  }
0x21: {  	s3 =	sadd.s32 s3, s9;
	s6 =	sadd.s32 @!p0 $0x88, s6;
	s7 =	simm.s32 @p2 $0x1082  }
0x22: {  	[simem:s7], [sflag:s8] =	dma.local @!p0 [hbm:s6], $0xF7A  }
0x23: {  	s9 =	sor.u32 $0xD0000000, s2;
	s6 =	simm.s32 $0x108;
	_ =	swait.ge @!p0 [sflag:s8], $0x0  }
0x24: {  	s3 =	sadd.s32 $0x88, s3;
	s6 =	simm.s32 @!p1 $0x1082;
	[sflag:s4] =	ssyncset.s32 $0xFFFFF086  }
0x25: {  	[simem:s6], [sflag:s4] =	dma.local [hbm:s3], $0xF7A  }
0x26: {  	[smem:$0x3F99] =	sst s1;
	(tag) =	ssettag s2;
	_ =	strace s9  }
0x27: {  	s1 =	sld [smem:$0x3FA9]  }
0x28: {  	s2 =	sld [smem:$0x3FAA]  }
0x29: {  	s4 =	sld [smem:$0x3FAC]  }
0x2a: {  	p0 =	seq.s32 s5, $0x0;
	s5 =	sld [smem:$0x3FAD]  }
0x2b: {  	s6 =	sld [smem:$0x3FAE]  }
0x2c: {  	s7 =	sld [smem:$0x3FAF]  }
0x2d: {  	s3 =	simm.s32 $0x108;
	s8 =	sld [smem:$0x3FB0]  }
0x2e: {  	s3 =	simm.s32 @!p0 $0x1082;
	s9 =	sld [smem:$0x3FB1]  }
0x2f: {  	lr =	sadd.s32 s0, s3;
	s0 =	sld [smem:$0x3FA8]  }
0x30: {  	s3 =	sld [smem:$0x3FAB]  }
0x31: {  	[smem:$0x3FB4] =	sst s10  }
0x32: {  	s10 =	sld [smem:$0x3FB2];
	_ =	sdelay $0x3  }
0x33: {  	p0 =	seq.s32 s10, $0x1;
	s10 =	sld [smem:$0x3FB4];
	_ =	sdelay $0x3  }
0x34: {  	[smem:$0x3FB4] =	sst s10  }
0x35: {  	s10 =	sld [smem:$0x3FB3];
	_ =	sdelay $0x3  }
0x36: {  	p1 =	seq.s32 s10, $0x1;
	s10 =	sld [smem:$0x3FB4];
	_ =	sdelay $0x3  }
0x37: {  	[smem:$0x3FB4] =	sst s10  }
0x38: {  	s10 =	sld [smem:$0x3FB5]  }
0x39: {  	_ = 	snop;
	(pc) =	sbr.ind lr, $3  }
0x3a: {  	_ = 	snop  }
0x3b: {  	_ = 	snop  }
0x3c: {  	p2 =	seq.s32 s10, $0x1;
	s10 =	sld [smem:$0x3FB4]  }
0x3d: {  	_ =	shalt  }
0x3e: {  	_ =	shalt  }
0x3f: {  	_ =	shalt  }
0x40: {  	_ =	shalt  }
0x41: {  	_ =	shalt  }
0x42: {  	_ =	shalt  }
0x43: {  	_ =	shalt  }
0x44: {  	_ =	shalt  }
0x45: {  	_ =	shalt  }
0x46: {  	_ =	shalt  }
0x47: {  	_ =	shalt  }
0x48: {  	_ =	shalt  }
0x49: {  	_ =	shalt  }
0x4a: {  	_ =	shalt  }
0x4b: {  	_ =	shalt  }
0x4c: {  	_ =	shalt  }
0x4d: {  	_ =	shalt  }
0x4e: {  	_ =	shalt  }
0x4f: {  	_ =	shalt  }
0x50: {  	_ =	shalt  }
0x51: {  	_ =	shalt  }
0x52: {  	_ =	shalt  }
0x53: {  	_ =	shalt  }
0x54: {  	_ =	shalt  }
0x55: {  	_ =	shalt  }
0x56: {  	_ =	shalt  }
0x57: {  	_ =	shalt  }
0x58: {  	_ =	shalt  }
0x59: {  	_ =	shalt  }
0x5a: {  	_ =	shalt  }
0x5b: {  	_ =	shalt  }
0x5c: {  	_ =	shalt  }
0x5d: {  	_ =	shalt  }
0x5e: {  	_ =	shalt  }
0x5f: {  	_ =	shalt  }
0x60: {  	_ =	shalt  }
0x61: {  	_ =	shalt  }
0x62: {  	_ =	shalt  }
0x63: {  	_ =	shalt  }
0x64: {  	_ =	shalt  }
0x65: {  	_ =	shalt  }
0x66: {  	_ =	shalt  }
0x67: {  	_ =	shalt  }
0x68: {  	_ =	shalt  }
0x69: {  	_ =	shalt  }
0x6a: {  	_ =	shalt  }
0x6b: {  	_ =	shalt  }
0x6c: {  	_ =	shalt  }
0x6d: {  	_ =	shalt  }
0x6e: {  	_ =	shalt  }
0x6f: {  	_ =	shalt  }
0x70: {  	_ =	shalt  }
0x71: {  	_ =	shalt  }
0x72: {  	_ =	shalt  }
0x73: {  	_ =	shalt  }
0x74: {  	_ =	shalt  }
0x75: {  	_ =	shalt  }
0x76: {  	_ =	shalt  }
0x77: {  	_ =	shalt  }
0x78: {  	_ =	shalt  }
0x79: {  	_ =	shalt  }
0x7a: {  	_ =	shalt  }
0x7b: {  	_ =	shalt  }
0x7c: {  	_ =	shalt  }
0x7d: {  	_ =	shalt  }
0x7e: {  	_ =	shalt  }
0x7f: {  	_ =	shalt  }
0x80: {  	_ =	shalt  }
0x81: {  	_ =	shalt  }
0x82: {  	_ =	shalt  }
0x83: {  	_ =	shalt  }
0x84: {  	_ =	shalt  }
0x85: {  	_ =	shalt  }
0x86: {  	_ =	shalt  }
0x87: {  	_ =	shalt  }
.Lfunc_end0:
.L_simem_size_0:
called_computation.3_lowered:
.L_overlay_start_0:
0x88: {  	s2 =	sld [smem:$0x3FD9]  }
0x89: {  	s3 =	sld [smem:$0x3FFE];
	_ =	sdelay $0x1  }
0x8a: {  	s1 =	srdreg.scid  }
0x8b: {  	s0 =	sand.u32 $0x1, s1  }
0x8c: {  	s16 =	sshll.u32 s0, $0xA;
	s2 =	sadd.s32 s3, s2  }
0x8d: {  	s2 =	sadd.s32 s2, s16  }
0x8e: {  	[smem:$0x3FC0] =	sst s2  }
0x8f: {  	_ = 	snop  }
0x90: {  	(tm) =	ssettm $0x1  }
0x91: {  	s17 =	sld [smem:$0x3FFB];
	_ =	sdelay $0x3  }
0x92: {  	_ =	strace s17  }
0x93: {  	s2 =	sld [smem:$0x3FFC];
	_ =	sdelay $0x3  }
0x94: {  	_ =	strace s2  }
0x95: {  	s2 =	sld [smem:$0x3FFD];
	_ =	sdelay $0x3  }
0x96: {  	_ =	strace s2  }
0x97: {  	_ =	strace $0x8FFFFFFF  }
0x98: {  	s18 =	sld [smem:$0x3FDB];
	_ =	sdelay $0x1  }
0x99: {  	s19 =	simm.s32 $_scs_section_size  }
0x9a: {  	s4 =	simm.s32 $_size__tile_overlayer_lowered;
	s5 =	simm.s32 $_tile_overlayer_lowered  }
0x9b: {  	s22 =	simm.s32 $0x1BFF;
	s21 =	sshll.u32 s5, $0x1;
	s2 =	sadd.s32 s19, s18  }
0x9c: {  	s6 =	simm.s32 $0x0;
	s20 =	sshll.u32 s4, $0x1;
	s4 =	sadd.s32 s21, s2  }
0x9d: {  	[timem:s6], [sflag:s22] =	dma.local [hbm:s4], s20  }
0x9e: {  	_ =	swait.ge [sflag:s22], s20  }
0x9f: {  	s3 =	ssub.s32 $0x0, s20;
	[sflag:s22] =	ssyncset.done $0x0  }
0xa0: {  	[sflag:s22] =	ssyncadd.s32 s3;
	_ =	sdelay $0x1  }
0xa1: {  	s23 =	simm.s32 $0x1B8B  }
0xa2: {  	_ =	swait.ge [sflag:s23], $0x1  }
0xa3: {  	[sflag:s23] =	ssyncset.done $0x0  }
0xa4: {  	s25 =	simm.s32 $0x1B8E;
	s24 =	sld [smem:$0x3FFE];
	[sflag:s23] =	ssyncadd.s32 $0xFFFFFFFF  }
0xa5: {  	s26 =	simm.s32 $execute0_lowered;
	[smem:$0x3FD2] =	sst s25  }
0xa6: {  	s4 =	sshll.u32 s26, $0x1;
	_ =	strace $0x8000004F;
	[dreg:$0x1] =	wrdreg $0xFFFFFFFF  }
0xa7: {  	s28 =	simm.s32 $_size_execute0_lowered;
	s2 =	sadd.s32 s2, s4;
	[dreg:$0x0] =	wrdreg $0x0  }
0xa8: {  	s4 =	sshll.u32 s28, $0x1;
	[dreg:$0x2] =	wrdreg s2  }
0xa9: {  	[dreg:$0x3] =	wrdreg s4  }
0xaa: {  	[dreg:$0x4] =	wrdreg $0xC0  }
0xab: {  	_ =	task [dreg:s6], $0x5FFFF  }
0xac: {  	[dreg:$0x1] =	wrdreg $0xFFFFFFFF  }
0xad: {  	[dreg:$0x0] =	wrdreg $0x60  }
0xae: {  	[dreg:$0x2] =	wrdreg s24  }
0xaf: {  	[dreg:$0x3] =	wrdreg $0x9E200  }
0xb0: {  	[dreg:$0x4] =	wrdreg $0x9  }
0xb1: {  	_ =	task.clear_ibuf [dreg:s6], $0x5FFFF;
	_ =	strace $0x9000004F  }
0xb2: {  	s29 =	simm.s32 $0x9;
	_ =	strace $0x80000051  }
0xb3: {  	_ =	swait.ge [sflag:s29], $0x1  }
0xb4: {  	[sflag:s29] =	ssyncadd.s32 $0xFFFFFFFF  }
0xb5: {  	_ =	strace $0x90000051  }
0xb6: {  	_ =	sfence  }
0xb7: {  	s30 =	sld [smem:$0x0];
	_ =	sdelay $0x2  }
0xb8: {  	s31 =	sshll.u32 s1, $0xD;
	s1 =	sshrl.u32 s1, $0x2  }
0xb9: {  	s3 =	sand.u32 $0x4000, s31;
	s1 =	sadd.s32 s1, s30  }
0xba: {  	s0 =	sor.u32 s3, s0;
	s1 =	sshll.u32 s1, $0x11  }
0xbb: {  	s0 =	sor.u32 s1, s0  }
0xbc: {  	s0 =	sadd.s32 $0x8F2B, s0  }
0xbd: {  	[sflag:s0] =	ssyncadd.remote.s32 $0x1  }
0xbe: {  	_ =	sfence.sel $0xFFFF  }
0xbf: {  	[dreg:$0x0] =	wrdreg $0xFFFFFFFF;
	(pc) =	sbr.abs _section_cstart, $3  }
0xc0: {  	[dreg:$0x1] =	wrdreg $0xFFFFFFFF  }
0xc1: {  	_ =	task.clear_ibuf [dreg:s6], $0x2FFFF;
	_ =	strace $0x9FFFFFFF  }
0xc2: {  	(tm) =	ssettm $0x7FFFFFFF  }
0xc3: {  	_ =	shalt  }
tec
execute0_lowered:
.L_overlay_start_1:
0x0: {  	(tag) =	ssettag $0x1  }
0x1: {  	s5 =	rddreg [dreg:$0x0]  }
0x2: {  	s2 =	rddreg [dreg:$0x1]  }
0x3: {  	s0 =	rddreg [dreg:$0x2];
	s3 =	simm.s32 $0x0;
	s4 =	srdreg.scid  }
0x4: {  	s1 =	stileid.u32;
	s11 =	simm.s32 $0x2710;
	s14 =	simm.s32 $0x50  }
0x5: {  	s15 =	simm.s32 $0x4E20;
	s16 =	simm.s32 $0x7620;
	s17 =	simm.s32 $0x1  }
0x6: {  	s18 =	simm.s32 $0x2;
	s19 =	simm.s32 $0x4DD0;
	s20 =	simm.s32 $0x0  }
0x7: {  	s6 =	sand.u32 $0x1, s4;
	s31 =	sshll.u32 s1, $0x1;
	s7 =	smul.u32 $0x14000, s1  }
0x8: {  	[smem:$0x7FF] =	sst s3;
	s12 =	sshll.u32 s1, $0x6;
	s4 =	sor.u32 s6, s31  }
0x9: {  	s8 =	smul.u32 $0x140000, s6;
	_ =	strace $0x80000050;
	s6 =	ssub.s32 $0x2, s6  }
0xa: {  	s12 =	sor.u32 $0x1C03, s12;
	s9 =	smul.u32 $0x4E2, s4;
	s4 =	sadd.s32 $0x17000, s5  }
0xb: {  	s10 =	sshrl.u32 s6, $0x1;
	s13 =	sadd.s32 s7, s2;
	s8 =	sadd.s32 s7, s8  }
0xc: {  	s10 =	ssub.s32 s6, s10;
	s7 =	sshrl.u32 s7, $0x3;
	s13 =	sshrl.u32 s13, $0x3  }
0xd: {  	s9 =	sadd.s32 s9, s5;
	s8 =	sshrl.u32 s8, $0x3;
	s7 =	sadd.s32 s4, s7  }
0xe: {  	s8 =	sadd.s32 s8, s5;
	s5 =	sadd.s32 $0x3400, s9;
	s6 =	sadd.s32 $0xD200, s9  }
0xf: {  	s9 =	smax.u32 s10, $0x1;
	s10 =	simm.s32 $0x3;
	s8 =	sadd.s32 $0x3F000, s8  }
.LBB2_1:
0x10: {  	[tilespmem:s3], [sflag:$0x3] =	stream.linear.gather [hbm4b:s5+s3], $0x2710, $0x38;
	[tilespmem:$0x1DE20] =	vst v63  }
0x11: {  	_ =	swait.ge [sflag:s10], $0x2710  }
0x12: {  	[sflag:s10] =	ssyncset.done $0x0  }
0x13: {  	[sflag:s10] =	ssyncadd.s32 $0xFFFFD8F0  }
0x14: {  	[tilespmem:s11], [sflag:$0x3] =	stream.linear.gather [hbm4b:s6+s3], $0x2710, $0x38;
	[tilespmem:$0x1DE20] =	vst v63  }
0x15: {  	_ =	swait.ge [sflag:s10], $0x2710  }
0x16: {  	[sflag:s10] =	ssyncset.done $0x0  }
0x17: {  	[sflag:s10] =	ssyncadd.s32 $0xFFFFD8F0  }
0x18: {  	[spmem:s13], [sflag:s12] =	dma.local [hbm:s7], $0x2800  }
0x19: {  	_ =	swait.ge [sflag:s10], $0x2800  }
0x1a: {  	[sflag:s10] =	ssyncset.done $0x0  }
0x1b: {  	[sflag:s10] =	ssyncadd.s32 $0xFFFFD800  }
0x1c: {  	[bflag:$0x0] =	sbarrier.arrive $0xFFFF  }
0x1d: {  	[tilespmem:s15], [sflag:$0x1] =	stream.indirect.gather [hbm4b:s4+s14], $0x80, s3, s14, $0xb8;
	[tilespmem:$0x1DE20] =	vst v63  }
0x1e: {  	s21 =	simm.s32 $0x50  }
0x1f: {  	[tilespmem:s16], [sflag:$0x2] =	stream.indirect.gather [hbm4b:s4+s14], $0x80, s21, s14, $0xb8;
	[tilespmem:$0x1DE20] =	vst v63  }
0x20: {  	_ =	swait.ge [sflag:s17], $0x2800  }
0x21: {  	[sflag:s17] =	ssyncset.done $0x0  }
0x22: {  	s29 =	simm.s32 $0x2710;
	[sflag:s17] =	ssyncadd.s32 $0xFFFFD800  }
0x23: {  	[spmem:s2] =	stream.indirect.scatter.add.f32 [tilespmem:s15], [sflag:$0x3], $0x80, s29, s14, $0xb8;
	[tilespmem:$0x1DE20] =	vst v63  }
0x24: {  	_ =	swait.ge [sflag:s10], $0x2800  }
0x25: {  	[sflag:s10] =	ssyncset.done $0x0  }
0x26: {  	s30 =	simm.s32 $0xA0;
	[sflag:s10] =	ssyncadd.s32 $0xFFFFD800  }
0x27: {  	[tilespmem:s15], [sflag:$0x1] =	stream.indirect.gather [hbm4b:s4+s14], $0x80, s30, s14, $0xb8;
	[tilespmem:$0x1DE20] =	vst v63  }
0x28: {  	_ =	swait.ge [sflag:s18], $0x2800  }
0x29: {  	[sflag:s18] =	ssyncset.done $0x0  }
0x2a: {  	s31 =	simm.s32 $0x2760;
	[sflag:s18] =	ssyncadd.s32 $0xFFFFD800  }
0x2b: {  	[spmem:s2] =	stream.indirect.scatter.add.f32 [tilespmem:s16], [sflag:$0x3], $0x80, s31, s14, $0xb8;
	[tilespmem:$0x1DE20] =	vst v63  }
0x2c: {  	_ =	swait.ge [sflag:s10], $0x2800  }
0x2d: {  	s22 =	simm.s32 $0x500;
	s21 =	simm.s32 $0xA0;
	[sflag:s10] =	ssyncset.done $0x0  }
.LBB2_2:
0x2e: {  	s23 =	sadd.s32 $0x50, s21  }
0x2f: {  	[sflag:s10] =	ssyncadd.s32 $0xFFFFD800;
	s24 =	smov.u32 s22;
	s25 =	sadd.s32 $0x280, s22  }
0x30: {  	[tilespmem:s16], [sflag:$0x2] =	stream.indirect.gather [hbm4b:s4+s14], $0x80, s23, s14, $0xb8;
	[tilespmem:$0x1DE20] =	vst v63  }
0x31: {  	p0 =	sne.s32 s22, $0x9880;
	_ =	swait.ge [sflag:s17], $0x2800  }
0x32: {  	[sflag:s17] =	ssyncset.done $0x0  }
0x33: {  	s22 =	sadd.s32 $0x2710, s21;
	[sflag:s17] =	ssyncadd.s32 $0xFFFFD800  }
0x34: {  	[spmem:s2] =	stream.indirect.scatter.add.f32 [tilespmem:s15], [sflag:$0x3], $0x80, s22, s14, $0xb8;
	[tilespmem:$0x1DE20] =	vst v63  }
0x35: {  	_ =	swait.ge [sflag:s10], $0x2800  }
0x36: {  	[sflag:s10] =	ssyncset.done $0x0  }
0x37: {  	s22 =	sadd.s32 $0xA0, s21;
	[sflag:s10] =	ssyncadd.s32 $0xFFFFD800  }
0x38: {  	[tilespmem:s15], [sflag:$0x1] =	stream.indirect.gather [hbm4b:s4+s14], $0x80, s22, s14, $0xb8;
	[tilespmem:$0x1DE20] =	vst v63  }
0x39: {  	_ =	swait.ge [sflag:s18], $0x2800  }
.Ltmp0:
0x3a: {  	[sflag:s18] =	ssyncset.done $0x0;
	(pc) =	sbr.rel @p0 .LBB2_2-.Ltmp0, $4  }
0x3b: {  	s21 =	sadd.s32 $0x2760, s21;
	[sflag:s18] =	ssyncadd.s32 $0xFFFFD800  }
0x3c: {  	[spmem:s2] =	stream.indirect.scatter.add.f32 [tilespmem:s16], [sflag:$0x3], $0x80, s21, s14, $0xb8;
	[tilespmem:$0x1DE20] =	vst v63  }
0x3d: {  	_ =	swait.ge [sflag:s10], $0x2800  }
0x3e: {  	s22 =	smov.u32 s25;
	s21 =	sshra.s32 s24, $0x2;
	[sflag:s10] =	ssyncset.done $0x0  }
0x3f: {  	s22 =	sadd.s32 $0x50, s21;
	[sflag:s10] =	ssyncadd.s32 $0xFFFFD800  }
0x40: {  	[tilespmem:s16], [sflag:$0x2] =	stream.indirect.gather [hbm4b:s4+s14], $0x80, s22, s14, $0xb8;
	[tilespmem:$0x1DE20] =	vst v63  }
0x41: {  	_ =	swait.ge [sflag:s17], $0x2800  }
0x42: {  	[sflag:s17] =	ssyncset.done $0x0  }
0x43: {  	s29 =	sadd.s32 $0x2710, s21;
	[sflag:s17] =	ssyncadd.s32 $0xFFFFD800  }
0x44: {  	[spmem:s2] =	stream.indirect.scatter.add.f32 [tilespmem:s15], [sflag:$0x3], $0x80, s29, s14, $0xb8;
	[tilespmem:$0x1DE20] =	vst v63  }
0x45: {  	_ =	swait.ge [sflag:s10], $0x2800  }
0x46: {  	[sflag:s10] =	ssyncset.done $0x0  }
0x47: {  	s30 =	sadd.s32 $0xA0, s21;
	[sflag:s10] =	ssyncadd.s32 $0xFFFFD800  }
0x48: {  	[tilespmem:s15], [sflag:$0x1] =	stream.indirect.gather [hbm4b:s4+s14], $0x80, s30, s14, $0xb8;
	[tilespmem:$0x1DE20] =	vst v63  }
0x49: {  	_ =	swait.ge [sflag:s18], $0x2800  }
0x4a: {  	[sflag:s18] =	ssyncset.done $0x0  }
0x4b: {  	s31 =	sadd.s32 $0x2760, s21;
	[sflag:s18] =	ssyncadd.s32 $0xFFFFD800  }
0x4c: {  	[spmem:s2] =	stream.indirect.scatter.add.f32 [tilespmem:s16], [sflag:$0x3], $0x80, s31, s14, $0xb8;
	[tilespmem:$0x1DE20] =	vst v63  }
0x4d: {  	_ =	swait.ge [sflag:s10], $0x2800  }
0x4e: {  	[sflag:s10] =	ssyncset.done $0x0  }
0x4f: {  	[sflag:s10] =	ssyncadd.s32 $0xFFFFD800  }
0x50: {  	_ =	swait.ge [sflag:s17], $0x2800  }
0x51: {  	[sflag:s17] =	ssyncset.done $0x0  }
0x52: {  	[sflag:s17] =	ssyncadd.s32 $0xFFFFD800  }
0x53: {  	[spmem:s2] =	stream.indirect.scatter.add.f32 [tilespmem:s15], [sflag:$0x3], $0x80, s19, s14, $0xb8;
	[tilespmem:$0x1DE20] =	vst v63  }
0x54: {  	_ =	swait.ge [sflag:s10], $0x2800  }
0x55: {  	s20 =	sadd.s32 $0x1, s20;
	[sflag:s10] =	ssyncset.done $0x0  }
0x56: {  	p0 =	sne.s32 s20, s9;
	[sflag:s10] =	ssyncadd.s32 $0xFFFFD800  }
.Ltmp1:
0x57: {  	[bflag:$0x0] =	sbarrier.arrive $0xFFFF;
	(pc) =	sbr.rel @p0 .LBB2_1-.Ltmp1, $4  }
0x58: {  	[hbm:s8], [sflag:s12] =	dma.local [spmem:s13], $0x2800  }
0x59: {  	_ =	swait.ge [sflag:s10], $0x2800  }
0x5a: {  	[sflag:s10] =	ssyncset.done $0x0  }
0x5b: {  	[sflag:s10] =	ssyncadd.s32 $0xFFFFD800  }
0x5c: {  	_ =	sfence.sel $0x180000  }
0x5d: {  	[bflag:$0x0] =	sbarrier.arrive $0xFFFF  }
0x5e: {  	p0 =	sne.s32 s1, $0x0;
	_ =	strace $0x90000050  }
0x5f: {  	s0 =	sadd.s32 @!p0 $0x100000, s0;
	[bflag:$0x2] =	sbarrier.arrive $0xFFFF  }
0x60: {  	[sflag:s0] =	ssyncadd.tile.s32 @!p0 $0x1;
	_ =	shalt  }
.Lfunc_end2:
_tile_overlayer_lowered:
.L_overlay_start_2:
0x61: {  	(tag) =	ssettag $0x2  }
0x62: {  	s0 =	rddreg [dreg:$0x0];
	s2 =	stileid.u32  }
0x63: {  	s1 =	rddreg [dreg:$0x1];
	p0 =	sne.s32 s2, $0x0  }
0x64: {  	s3 =	rddreg [dreg:$0x2];
	[bflag:$0x3] =	sbarrier.arrive $0xFFFF;
	s2 =	simm.s32 @!p0 $0x1C03  }
0x65: {  	[timem:s3], [sflag:s2] =	dma.local @!p0 [hbm:s0], s1  }
0x66: {  	s0 =	simm.s32 @!p0 $0x3  }
0x67: {  	_ =	swait.ge @!p0 [sflag:s0], s1  }
0x68: {  	s1 =	ssub.s32 @!p0 $0x0, s1;
	[sflag:s0] =	ssyncset.done @!p0 $0x0  }
0x69: {  	[sflag:s0] =	ssyncadd.s32 @!p0 s1  }
0x6a: {  	[bflag:$0x3] =	sbarrier.arrive $0xFFFF  }
0x6b: {  	_ =	shalt  }

</sc_bundles>
